<compile_context>
chip_gen: v7x
topology: tpu7x:2x2x1
jax: 0.10.2.dev20260603
libtpu: 0.0.44.dev20260713+nightly
codegen_flags: <defaults>
</compile_context>

<pallas_src>
import functools

import jax
import jax.numpy as jnp
from jax import lax
from jax.experimental import pallas as pl
from jax.experimental.pallas import tpu as pltpu
from jax.experimental.pallas import tpu_sc as plsc

VOCAB = 30
D = 1024
B = 32 * 1024

NC = 2
NS = 16
NW = NC * NS
B_PER_W = B // NW
LANES = 16
GSIZE = 16
NGROUP = B_PER_W // GSIZE

_mesh = plsc.VectorSubcoreMesh(
    core_axis_name="c", subcore_axis_name="s", num_cores=NC, num_subcores=NS
)


@functools.partial(
    pl.kernel,
    out_type=jax.ShapeDtypeStruct((B, D), jnp.float32),
    mesh=_mesh,
    scratch_types=[
        pltpu.VMEM((B_PER_W,), jnp.int32),
        pltpu.VMEM((VOCAB, D), jnp.float32),
        pltpu.SemaphoreType.DMA,
    ],
)
def _embed(x_hbm, table_hbm, out_hbm, idx_v, table_v, wsem):
    wid = lax.axis_index("s") * NC + lax.axis_index("c")
    base = wid * B_PER_W
    pltpu.sync_copy(x_hbm.at[wid], idx_v)
    pltpu.sync_copy(table_hbm, table_v)

    def issue_group(g):
        for h in range(GSIZE // LANES):
            xv = idx_v[pl.ds(g * GSIZE + h * LANES, LANES)]
            for j in range(LANES):
                i = g * GSIZE + h * LANES + j
                pltpu.async_copy(
                    table_v.at[pl.ds(xv[j], 1)],
                    out_hbm.at[pl.ds(base + i, 1)], wsem)

    def drain(n):
        pltpu.make_async_copy(
            table_v.at[pl.ds(0, n)], out_hbm.at[pl.ds(base, n)], wsem).wait()

    issue_group(0)

    def body(g, carry):
        issue_group(g + 1)
        drain(GSIZE)
        return carry

    lax.fori_loop(0, NGROUP - 1, body, 0)
    drain(GSIZE)


@jax.jit
def kernel(x, table):
    x_r = x.reshape(NW, B_PER_W)
    out = _embed(x_r, table)
    return out.reshape(32, 1024, D)

# --- scband reference (transcript-rebuilt; emitter-appended) ---
"""Pipeline reference for scband-prot-embedding-6442450944285 (READ-ONLY COPY).

The authoritative reference and input builder live on the scoring server;
editing this copy changes nothing except your own understanding.
"""

import jax, jax.numpy as jnp
import numpy as np

VOCAB = 30
EMBED_DIM = 1024

def setup_inputs(seed: int = 0) -> dict:
    key = jax.random.key(seed)
    k_x, k_w = jax.random.split(key)
    x = jax.random.randint(k_x, (32, 1024), 0, VOCAB, dtype=jnp.int64 if jax.config.jax_enable_x64 else jnp.int32).astype(jnp.int32)
    table = jax.random.normal(k_w, (VOCAB, EMBED_DIM), dtype=jnp.float32)
    # padding_idx=0: row 0 is zeros, matching nn.Embedding(padding_idx=0) init
    table = table.at[0].set(0.0)
    return {"x": x, "table": table}

def reference(x, table):
    # nn.Embedding forward: pure row gather
    return jnp.take(table, x, axis=0)

if __name__ == "__main__":
    import jax
    _d = setup_inputs()
    print(jax.jit(kernel)(*tuple(_d.values())))

</pallas_src>

<mosaic_0001>
#map = affine_map<(d0, d1) -> (0, 0)>
module attributes {stable_mosaic.version = 14 : i64} {
  func.func @_embed(%arg0: i32, %arg1: i32, %arg2: memref<32x1024xi32, #tpu.memory_space<hbm>>, %arg3: memref<30x1024xf32, #tpu.memory_space<hbm>>, %arg4: memref<32768x1024xf32, #tpu.memory_space<hbm>>, %arg5: memref<1024xi32, #tpu.memory_space<vmem>>, %arg6: memref<30x1024xf32, #tpu.memory_space<vmem>>, %arg7: memref<!tpu.dma_semaphore, #tpu.memory_space<semaphore_mem>>) attributes {dimension_semantics = [#tpu.dimension_semantics<core_parallel>, #tpu.dimension_semantics<subcore_parallel>], iteration_bounds = array<i64: 2, 16>, scalar_prefetch = 0 : i64, scratch_operands = 3 : i64, tpu.core_type = #tpu.core_type<sc_vector_subcore>, window_params = [{transform_indices = #map}, {transform_indices = #map}, {transform_indices = #map}]} {
    %mul3A = arith.constant 2 : i32
    %mul3A_0 = arith.muli %arg1, %mul3A : i32
    %add3A = arith.addi %mul3A_0, %arg0 : i32
    %mul3A_1 = arith.constant 1024 : i32
    %mul3A_2 = arith.muli %add3A, %mul3A_1 : i32
    "tpu.region"() ({
      %run_scoped3A = tpu.sem_alloc : memref<!tpu.dma_semaphore, #tpu.memory_space<semaphore_mem>>
      %dma_start3A_208 = arith.constant 0 : i32
      %dma_start3A_209 = tpu.memref_slice %arg2[%add3A, %dma_start3A_208] : memref<32x1024xi32, #tpu.memory_space<hbm>> -> memref<1x1024xi32, #tpu.memory_space<hbm>>
      %dma_start3A_210 = tpu.memref_squeeze %dma_start3A_209 : memref<1x1024xi32, #tpu.memory_space<hbm>> -> memref<1024xi32, #tpu.memory_space<hbm>>
      %dma_start3A_211 = arith.constant 0 : i32
      %dma_start3A_212 = tpu.memref_slice %arg2[%add3A, %dma_start3A_211] : memref<32x1024xi32, #tpu.memory_space<hbm>> -> memref<1x1024xi32, #tpu.memory_space<hbm>>
      %dma_start3A_213 = tpu.memref_squeeze %dma_start3A_212 : memref<1x1024xi32, #tpu.memory_space<hbm>> -> memref<1024xi32, #tpu.memory_space<hbm>>
      tpu.enqueue_dma source(%dma_start3A_213 : memref<1024xi32, #tpu.memory_space<hbm>>) target(%arg5 : memref<1024xi32, #tpu.memory_space<vmem>>) target_semaphore(%run_scoped3A : memref<!tpu.dma_semaphore, #tpu.memory_space<semaphore_mem>>)
      %dma_wait3A_214 = arith.constant 0 : i32
      %dma_wait3A_215 = tpu.memref_slice %arg2[%add3A, %dma_wait3A_214] : memref<32x1024xi32, #tpu.memory_space<hbm>> -> memref<1x1024xi32, #tpu.memory_space<hbm>>
      %dma_wait3A_216 = tpu.memref_squeeze %dma_wait3A_215 : memref<1x1024xi32, #tpu.memory_space<hbm>> -> memref<1024xi32, #tpu.memory_space<hbm>>
      %dma_wait3A_217 = arith.constant 0 : i32
      %dma_wait3A_218 = tpu.memref_slice %arg2[%add3A, %dma_wait3A_217] : memref<32x1024xi32, #tpu.memory_space<hbm>> -> memref<1x1024xi32, #tpu.memory_space<hbm>>
      %dma_wait3A_219 = tpu.memref_squeeze %dma_wait3A_218 : memref<1x1024xi32, #tpu.memory_space<hbm>> -> memref<1024xi32, #tpu.memory_space<hbm>>
      tpu.wait_dma2 semaphore(%run_scoped3A : memref<!tpu.dma_semaphore, #tpu.memory_space<semaphore_mem>>) src(%dma_wait3A_219 : memref<1024xi32, #tpu.memory_space<hbm>>) dst(%arg5 : memref<1024xi32, #tpu.memory_space<vmem>>)
      tpu.yield
    }) : () -> ()
    "tpu.region"() ({
      %run_scoped3A = tpu.sem_alloc : memref<!tpu.dma_semaphore, #tpu.memory_space<semaphore_mem>>
      tpu.enqueue_dma source(%arg3 : memref<30x1024xf32, #tpu.memory_space<hbm>>) target(%arg6 : memref<30x1024xf32, #tpu.memory_space<vmem>>) target_semaphore(%run_scoped3A : memref<!tpu.dma_semaphore, #tpu.memory_space<semaphore_mem>>)
      tpu.wait_dma2 semaphore(%run_scoped3A : memref<!tpu.dma_semaphore, #tpu.memory_space<semaphore_mem>>) src(%arg3 : memref<30x1024xf32, #tpu.memory_space<hbm>>) dst(%arg6 : memref<30x1024xf32, #tpu.memory_space<vmem>>)
      tpu.yield
    }) : () -> ()
    %get3A = arith.constant 0 : index
    %get3A_3 = tpu.vector_load %arg5[%get3A] {strides = array<i32>} : memref<1024xi32, #tpu.memory_space<vmem>>, vector<16xi32>,
    %get3A_4 = vector.shape_cast %get3A_3 : vector<16xi32> to vector<16xi32>
    %slice3A = vector.extract_strided_slice %get3A_4 {offsets = [0], sizes = [1], strides = [1]} : vector<16xi32> to vector<1xi32>
    %squeeze3A = vector.extract %slice3A[0] : i32 from vector<1xi32>
    %add3A_5 = arith.constant 0 : i32
    %add3A_6 = arith.addi %mul3A_2, %add3A_5 : i32
    %dma_start3A = arith.constant 0 : i32
    %dma_start3A_7 = tpu.memref_slice %arg6[%squeeze3A, %dma_start3A] : memref<30x1024xf32, #tpu.memory_space<vmem>> -> memref<1x1024xf32, #tpu.memory_space<vmem>>
    %dma_start3A_8 = arith.constant 0 : i32
    %dma_start3A_9 = tpu.memref_slice %arg4[%add3A_6, %dma_start3A_8] : memref<32768x1024xf32, #tpu.memory_space<hbm>> -> memref<1x1024xf32, #tpu.memory_space<hbm>>
    %dma_start3A_10 = arith.constant 0 : i32
    %dma_start3A_11 = tpu.memref_slice %arg4[%add3A_6, %dma_start3A_10] : memref<32768x1024xf32, #tpu.memory_space<hbm>> -> memref<1x1024xf32, #tpu.memory_space<hbm>>
    %dma_start3A_12 = arith.constant 0 : i32
    %dma_start3A_13 = tpu.memref_slice %arg6[%squeeze3A, %dma_start3A_12] : memref<30x1024xf32, #tpu.memory_space<vmem>> -> memref<1x1024xf32, #tpu.memory_space<vmem>>
    tpu.enqueue_dma source(%dma_start3A_13 : memref<1x1024xf32, #tpu.memory_space<vmem>>) target(%dma_start3A_11 : memref<1x1024xf32, #tpu.memory_space<hbm>>) target_semaphore(%arg7 : memref<!tpu.dma_semaphore, #tpu.memory_space<semaphore_mem>>)
    %slice3A_14 = vector.extract_strided_slice %get3A_4 {offsets = [1], sizes = [1], strides = [1]} : vector<16xi32> to vector<1xi32>
    %squeeze3A_15 = vector.extract %slice3A_14[0] : i32 from vector<1xi32>
    %add3A_16 = arith.constant 1 : i32
    %add3A_17 = arith.addi %mul3A_2, %add3A_16 : i32
    %dma_start3A_18 = arith.constant 0 : i32
    %dma_start3A_19 = tpu.memref_slice %arg6[%squeeze3A_15, %dma_start3A_18] : memref<30x1024xf32, #tpu.memory_space<vmem>> -> memref<1x1024xf32, #tpu.memory_space<vmem>>
    %dma_start3A_20 = arith.constant 0 : i32
    %dma_start3A_21 = tpu.memref_slice %arg4[%add3A_17, %dma_start3A_20] : memref<32768x1024xf32, #tpu.memory_space<hbm>> -> memref<1x1024xf32, #tpu.memory_space<hbm>>
    %dma_start3A_22 = arith.constant 0 : i32
    %dma_start3A_23 = tpu.memref_slice %arg4[%add3A_17, %dma_start3A_22] : memref<32768x1024xf32, #tpu.memory_space<hbm>> -> memref<1x1024xf32, #tpu.memory_space<hbm>>
    %dma_start3A_24 = arith.constant 0 : i32
    %dma_start3A_25 = tpu.memref_slice %arg6[%squeeze3A_15, %dma_start3A_24] : memref<30x1024xf32, #tpu.memory_space<vmem>> -> memref<1x1024xf32, #tpu.memory_space<vmem>>
    tpu.enqueue_dma source(%dma_start3A_25 : memref<1x1024xf32, #tpu.memory_space<vmem>>) target(%dma_start3A_23 : memref<1x1024xf32, #tpu.memory_space<hbm>>) target_semaphore(%arg7 : memref<!tpu.dma_semaphore, #tpu.memory_space<semaphore_mem>>)
    %slice3A_26 = vector.extract_strided_slice %get3A_4 {offsets = [2], sizes = [1], strides = [1]} : vector<16xi32> to vector<1xi32>
    %squeeze3A_27 = vector.extract %slice3A_26[0] : i32 from vector<1xi32>
    %add3A_28 = arith.constant 2 : i32
    %add3A_29 = arith.addi %mul3A_2, %add3A_28 : i32
    %dma_start3A_30 = arith.constant 0 : i32
    %dma_start3A_31 = tpu.memref_slice %arg6[%squeeze3A_27, %dma_start3A_30] : memref<30x1024xf32, #tpu.memory_space<vmem>> -> memref<1x1024xf32, #tpu.memory_space<vmem>>
    %dma_start3A_32 = arith.constant 0 : i32
    %dma_start3A_33 = tpu.memref_slice %arg4[%add3A_29, %dma_start3A_32] : memref<32768x1024xf32, #tpu.memory_space<hbm>> -> memref<1x1024xf32, #tpu.memory_space<hbm>>
    %dma_start3A_34 = arith.constant 0 : i32
    %dma_start3A_35 = tpu.memref_slice %arg4[%add3A_29, %dma_start3A_34] : memref<32768x1024xf32, #tpu.memory_space<hbm>> -> memref<1x1024xf32, #tpu.memory_space<hbm>>
    %dma_start3A_36 = arith.constant 0 : i32
    %dma_start3A_37 = tpu.memref_slice %arg6[%squeeze3A_27, %dma_start3A_36] : memref<30x1024xf32, #tpu.memory_space<vmem>> -> memref<1x1024xf32, #tpu.memory_space<vmem>>
    tpu.enqueue_dma source(%dma_start3A_37 : memref<1x1024xf32, #tpu.memory_space<vmem>>) target(%dma_start3A_35 : memref<1x1024xf32, #tpu.memory_space<hbm>>) target_semaphore(%arg7 : memref<!tpu.dma_semaphore, #tpu.memory_space<semaphore_mem>>)
    %slice3A_38 = vector.extract_strided_slice %get3A_4 {offsets = [3], sizes = [1], strides = [1]} : vector<16xi32> to vector<1xi32>
    %squeeze3A_39 = vector.extract %slice3A_38[0] : i32 from vector<1xi32>
    %add3A_40 = arith.constant 3 : i32
    %add3A_41 = arith.addi %mul3A_2, %add3A_40 : i32
    %dma_start3A_42 = arith.constant 0 : i32
    %dma_start3A_43 = tpu.memref_slice %arg6[%squeeze3A_39, %dma_start3A_42] : memref<30x1024xf32, #tpu.memory_space<vmem>> -> memref<1x1024xf32, #tpu.memory_space<vmem>>
    %dma_start3A_44 = arith.constant 0 : i32
    %dma_start3A_45 = tpu.memref_slice %arg4[%add3A_41, %dma_start3A_44] : memref<32768x1024xf32, #tpu.memory_space<hbm>> -> memref<1x1024xf32, #tpu.memory_space<hbm>>
    %dma_start3A_46 = arith.constant 0 : i32
    %dma_start3A_47 = tpu.memref_slice %arg4[%add3A_41, %dma_start3A_46] : memref<32768x1024xf32, #tpu.memory_space<hbm>> -> memref<1x1024xf32, #tpu.memory_space<hbm>>
    %dma_start3A_48 = arith.constant 0 : i32
    %dma_start3A_49 = tpu.memref_slice %arg6[%squeeze3A_39, %dma_start3A_48] : memref<30x1024xf32, #tpu.memory_space<vmem>> -> memref<1x1024xf32, #tpu.memory_space<vmem>>
    tpu.enqueue_dma source(%dma_start3A_49 : memref<1x1024xf32, #tpu.memory_space<vmem>>) target(%dma_start3A_47 : memref<1x1024xf32, #tpu.memory_space<hbm>>) target_semaphore(%arg7 : memref<!tpu.dma_semaphore, #tpu.memory_space<semaphore_mem>>)
    %slice3A_50 = vector.extract_strided_slice %get3A_4 {offsets = [4], sizes = [1], strides = [1]} : vector<16xi32> to vector<1xi32>
    %squeeze3A_51 = vector.extract %slice3A_50[0] : i32 from vector<1xi32>
    %add3A_52 = arith.constant 4 : i32
    %add3A_53 = arith.addi %mul3A_2, %add3A_52 : i32
    %dma_start3A_54 = arith.constant 0 : i32
    %dma_start3A_55 = tpu.memref_slice %arg6[%squeeze3A_51, %dma_start3A_54] : memref<30x1024xf32, #tpu.memory_space<vmem>> -> memref<1x1024xf32, #tpu.memory_space<vmem>>
    %dma_start3A_56 = arith.constant 0 : i32
    %dma_start3A_57 = tpu.memref_slice %arg4[%add3A_53, %dma_start3A_56] : memref<32768x1024xf32, #tpu.memory_space<hbm>> -> memref<1x1024xf32, #tpu.memory_space<hbm>>
    %dma_start3A_58 = arith.constant 0 : i32
    %dma_start3A_59 = tpu.memref_slice %arg4[%add3A_53, %dma_start3A_58] : memref<32768x1024xf32, #tpu.memory_space<hbm>> -> memref<1x1024xf32, #tpu.memory_space<hbm>>
    %dma_start3A_60 = arith.constant 0 : i32
    %dma_start3A_61 = tpu.memref_slice %arg6[%squeeze3A_51, %dma_start3A_60] : memref<30x1024xf32, #tpu.memory_space<vmem>> -> memref<1x1024xf32, #tpu.memory_space<vmem>>
    tpu.enqueue_dma source(%dma_start3A_61 : memref<1x1024xf32, #tpu.memory_space<vmem>>) target(%dma_start3A_59 : memref<1x1024xf32, #tpu.memory_space<hbm>>) target_semaphore(%arg7 : memref<!tpu.dma_semaphore, #tpu.memory_space<semaphore_mem>>)
    %slice3A_62 = vector.extract_strided_slice %get3A_4 {offsets = [5], sizes = [1], strides = [1]} : vector<16xi32> to vector<1xi32>
    %squeeze3A_63 = vector.extract %slice3A_62[0] : i32 from vector<1xi32>
    %add3A_64 = arith.constant 5 : i32
    %add3A_65 = arith.addi %mul3A_2, %add3A_64 : i32
    %dma_start3A_66 = arith.constant 0 : i32
    %dma_start3A_67 = tpu.memref_slice %arg6[%squeeze3A_63, %dma_start3A_66] : memref<30x1024xf32, #tpu.memory_space<vmem>> -> memref<1x1024xf32, #tpu.memory_space<vmem>>
    %dma_start3A_68 = arith.constant 0 : i32
    %dma_start3A_69 = tpu.memref_slice %arg4[%add3A_65, %dma_start3A_68] : memref<32768x1024xf32, #tpu.memory_space<hbm>> -> memref<1x1024xf32, #tpu.memory_space<hbm>>
    %dma_start3A_70 = arith.constant 0 : i32
    %dma_start3A_71 = tpu.memref_slice %arg4[%add3A_65, %dma_start3A_70] : memref<32768x1024xf32, #tpu.memory_space<hbm>> -> memref<1x1024xf32, #tpu.memory_space<hbm>>
    %dma_start3A_72 = arith.constant 0 : i32
    %dma_start3A_73 = tpu.memref_slice %arg6[%squeeze3A_63, %dma_start3A_72] : memref<30x1024xf32, #tpu.memory_space<vmem>> -> memref<1x1024xf32, #tpu.memory_space<vmem>>
    tpu.enqueue_dma source(%dma_start3A_73 : memref<1x1024xf32, #tpu.memory_space<vmem>>) target(%dma_start3A_71 : memref<1x1024xf32, #tpu.memory_space<hbm>>) target_semaphore(%arg7 : memref<!tpu.dma_semaphore, #tpu.memory_space<semaphore_mem>>)
    %slice3A_74 = vector.extract_strided_slice %get3A_4 {offsets = [6], sizes = [1], strides = [1]} : vector<16xi32> to vector<1xi32>
    %squeeze3A_75 = vector.extract %slice3A_74[0] : i32 from vector<1xi32>
    %add3A_76 = arith.constant 6 : i32
    %add3A_77 = arith.addi %mul3A_2, %add3A_76 : i32
    %dma_start3A_78 = arith.constant 0 : i32
    %dma_start3A_79 = tpu.memref_slice %arg6[%squeeze3A_75, %dma_start3A_78] : memref<30x1024xf32, #tpu.memory_space<vmem>> -> memref<1x1024xf32, #tpu.memory_space<vmem>>
    %dma_start3A_80 = arith.constant 0 : i32
    %dma_start3A_81 = tpu.memref_slice %arg4[%add3A_77, %dma_start3A_80] : memref<32768x1024xf32, #tpu.memory_space<hbm>> -> memref<1x1024xf32, #tpu.memory_space<hbm>>
    %dma_start3A_82 = arith.constant 0 : i32
    %dma_start3A_83 = tpu.memref_slice %arg4[%add3A_77, %dma_start3A_82] : memref<32768x1024xf32, #tpu.memory_space<hbm>> -> memref<1x1024xf32, #tpu.memory_space<hbm>>
    %dma_start3A_84 = arith.constant 0 : i32
    %dma_start3A_85 = tpu.memref_slice %arg6[%squeeze3A_75, %dma_start3A_84] : memref<30x1024xf32, #tpu.memory_space<vmem>> -> memref<1x1024xf32, #tpu.memory_space<vmem>>
    tpu.enqueue_dma source(%dma_start3A_85 : memref<1x1024xf32, #tpu.memory_space<vmem>>) target(%dma_start3A_83 : memref<1x1024xf32, #tpu.memory_space<hbm>>) target_semaphore(%arg7 : memref<!tpu.dma_semaphore, #tpu.memory_space<semaphore_mem>>)
    %slice3A_86 = vector.extract_strided_slice %get3A_4 {offsets = [7], sizes = [1], strides = [1]} : vector<16xi32> to vector<1xi32>
    %squeeze3A_87 = vector.extract %slice3A_86[0] : i32 from vector<1xi32>
    %add3A_88 = arith.constant 7 : i32
    %add3A_89 = arith.addi %mul3A_2, %add3A_88 : i32
    %dma_start3A_90 = arith.constant 0 : i32
    %dma_start3A_91 = tpu.memref_slice %arg6[%squeeze3A_87, %dma_start3A_90] : memref<30x1024xf32, #tpu.memory_space<vmem>> -> memref<1x1024xf32, #tpu.memory_space<vmem>>
    %dma_start3A_92 = arith.constant 0 : i32
    %dma_start3A_93 = tpu.memref_slice %arg4[%add3A_89, %dma_start3A_92] : memref<32768x1024xf32, #tpu.memory_space<hbm>> -> memref<1x1024xf32, #tpu.memory_space<hbm>>
    %dma_start3A_94 = arith.constant 0 : i32
    %dma_start3A_95 = tpu.memref_slice %arg4[%add3A_89, %dma_start3A_94] : memref<32768x1024xf32, #tpu.memory_space<hbm>> -> memref<1x1024xf32, #tpu.memory_space<hbm>>
    %dma_start3A_96 = arith.constant 0 : i32
    %dma_start3A_97 = tpu.memref_slice %arg6[%squeeze3A_87, %dma_start3A_96] : memref<30x1024xf32, #tpu.memory_space<vmem>> -> memref<1x1024xf32, #tpu.memory_space<vmem>>
    tpu.enqueue_dma source(%dma_start3A_97 : memref<1x1024xf32, #tpu.memory_space<vmem>>) target(%dma_start3A_95 : memref<1x1024xf32, #tpu.memory_space<hbm>>) target_semaphore(%arg7 : memref<!tpu.dma_semaphore, #tpu.memory_space<semaphore_mem>>)
    %slice3A_98 = vector.extract_strided_slice %get3A_4 {offsets = [8], sizes = [1], strides = [1]} : vector<16xi32> to vector<1xi32>
    %squeeze3A_99 = vector.extract %slice3A_98[0] : i32 from vector<1xi32>
    %add3A_100 = arith.constant 8 : i32
    %add3A_101 = arith.addi %mul3A_2, %add3A_100 : i32
    %dma_start3A_102 = arith.constant 0 : i32
    %dma_start3A_103 = tpu.memref_slice %arg6[%squeeze3A_99, %dma_start3A_102] : memref<30x1024xf32, #tpu.memory_space<vmem>> -> memref<1x1024xf32, #tpu.memory_space<vmem>>
    %dma_start3A_104 = arith.constant 0 : i32
    %dma_start3A_105 = tpu.memref_slice %arg4[%add3A_101, %dma_start3A_104] : memref<32768x1024xf32, #tpu.memory_space<hbm>> -> memref<1x1024xf32, #tpu.memory_space<hbm>>
    %dma_start3A_106 = arith.constant 0 : i32
    %dma_start3A_107 = tpu.memref_slice %arg4[%add3A_101, %dma_start3A_106] : memref<32768x1024xf32, #tpu.memory_space<hbm>> -> memref<1x1024xf32, #tpu.memory_space<hbm>>
    %dma_start3A_108 = arith.constant 0 : i32
    %dma_start3A_109 = tpu.memref_slice %arg6[%squeeze3A_99, %dma_start3A_108] : memref<30x1024xf32, #tpu.memory_space<vmem>> -> memref<1x1024xf32, #tpu.memory_space<vmem>>
    tpu.enqueue_dma source(%dma_start3A_109 : memref<1x1024xf32, #tpu.memory_space<vmem>>) target(%dma_start3A_107 : memref<1x1024xf32, #tpu.memory_space<hbm>>) target_semaphore(%arg7 : memref<!tpu.dma_semaphore, #tpu.memory_space<semaphore_mem>>)
    %slice3A_110 = vector.extract_strided_slice %get3A_4 {offsets = [9], sizes = [1], strides = [1]} : vector<16xi32> to vector<1xi32>
    %squeeze3A_111 = vector.extract %slice3A_110[0] : i32 from vector<1xi32>
    %add3A_112 = arith.constant 9 : i32
    %add3A_113 = arith.addi %mul3A_2, %add3A_112 : i32
    %dma_start3A_114 = arith.constant 0 : i32
    %dma_start3A_115 = tpu.memref_slice %arg6[%squeeze3A_111, %dma_start3A_114] : memref<30x1024xf32, #tpu.memory_space<vmem>> -> memref<1x1024xf32, #tpu.memory_space<vmem>>
    %dma_start3A_116 = arith.constant 0 : i32
    %dma_start3A_117 = tpu.memref_slice %arg4[%add3A_113, %dma_start3A_116] : memref<32768x1024xf32, #tpu.memory_space<hbm>> -> memref<1x1024xf32, #tpu.memory_space<hbm>>
    %dma_start3A_118 = arith.constant 0 : i32
    %dma_start3A_119 = tpu.memref_slice %arg4[%add3A_113, %dma_start3A_118] : memref<32768x1024xf32, #tpu.memory_space<hbm>> -> memref<1x1024xf32, #tpu.memory_space<hbm>>
    %dma_start3A_120 = arith.constant 0 : i32
    %dma_start3A_121 = tpu.memref_slice %arg6[%squeeze3A_111, %dma_start3A_120] : memref<30x1024xf32, #tpu.memory_space<vmem>> -> memref<1x1024xf32, #tpu.memory_space<vmem>>
    tpu.enqueue_dma source(%dma_start3A_121 : memref<1x1024xf32, #tpu.memory_space<vmem>>) target(%dma_start3A_119 : memref<1x1024xf32, #tpu.memory_space<hbm>>) target_semaphore(%arg7 : memref<!tpu.dma_semaphore, #tpu.memory_space<semaphore_mem>>)
    %slice3A_122 = vector.extract_strided_slice %get3A_4 {offsets = [10], sizes = [1], strides = [1]} : vector<16xi32> to vector<1xi32>
    %squeeze3A_123 = vector.extract %slice3A_122[0] : i32 from vector<1xi32>
    %add3A_124 = arith.constant 10 : i32
    %add3A_125 = arith.addi %mul3A_2, %add3A_124 : i32
    %dma_start3A_126 = arith.constant 0 : i32
    %dma_start3A_127 = tpu.memref_slice %arg6[%squeeze3A_123, %dma_start3A_126] : memref<30x1024xf32, #tpu.memory_space<vmem>> -> memref<1x1024xf32, #tpu.memory_space<vmem>>
    %dma_start3A_128 = arith.constant 0 : i32
    %dma_start3A_129 = tpu.memref_slice %arg4[%add3A_125, %dma_start3A_128] : memref<32768x1024xf32, #tpu.memory_space<hbm>> -> memref<1x1024xf32, #tpu.memory_space<hbm>>
    %dma_start3A_130 = arith.constant 0 : i32
    %dma_start3A_131 = tpu.memref_slice %arg4[%add3A_125, %dma_start3A_130] : memref<32768x1024xf32, #tpu.memory_space<hbm>> -> memref<1x1024xf32, #tpu.memory_space<hbm>>
    %dma_start3A_132 = arith.constant 0 : i32
    %dma_start3A_133 = tpu.memref_slice %arg6[%squeeze3A_123, %dma_start3A_132] : memref<30x1024xf32, #tpu.memory_space<vmem>> -> memref<1x1024xf32, #tpu.memory_space<vmem>>
    tpu.enqueue_dma source(%dma_start3A_133 : memref<1x1024xf32, #tpu.memory_space<vmem>>) target(%dma_start3A_131 : memref<1x1024xf32, #tpu.memory_space<hbm>>) target_semaphore(%arg7 : memref<!tpu.dma_semaphore, #tpu.memory_space<semaphore_mem>>)
    %slice3A_134 = vector.extract_strided_slice %get3A_4 {offsets = [11], sizes = [1], strides = [1]} : vector<16xi32> to vector<1xi32>
    %squeeze3A_135 = vector.extract %slice3A_134[0] : i32 from vector<1xi32>
    %add3A_136 = arith.constant 11 : i32
    %add3A_137 = arith.addi %mul3A_2, %add3A_136 : i32
    %dma_start3A_138 = arith.constant 0 : i32
    %dma_start3A_139 = tpu.memref_slice %arg6[%squeeze3A_135, %dma_start3A_138] : memref<30x1024xf32, #tpu.memory_space<vmem>> -> memref<1x1024xf32, #tpu.memory_space<vmem>>
    %dma_start3A_140 = arith.constant 0 : i32
    %dma_start3A_141 = tpu.memref_slice %arg4[%add3A_137, %dma_start3A_140] : memref<32768x1024xf32, #tpu.memory_space<hbm>> -> memref<1x1024xf32, #tpu.memory_space<hbm>>
    %dma_start3A_142 = arith.constant 0 : i32
    %dma_start3A_143 = tpu.memref_slice %arg4[%add3A_137, %dma_start3A_142] : memref<32768x1024xf32, #tpu.memory_space<hbm>> -> memref<1x1024xf32, #tpu.memory_space<hbm>>
    %dma_start3A_144 = arith.constant 0 : i32
    %dma_start3A_145 = tpu.memref_slice %arg6[%squeeze3A_135, %dma_start3A_144] : memref<30x1024xf32, #tpu.memory_space<vmem>> -> memref<1x1024xf32, #tpu.memory_space<vmem>>
    tpu.enqueue_dma source(%dma_start3A_145 : memref<1x1024xf32, #tpu.memory_space<vmem>>) target(%dma_start3A_143 : memref<1x1024xf32, #tpu.memory_space<hbm>>) target_semaphore(%arg7 : memref<!tpu.dma_semaphore, #tpu.memory_space<semaphore_mem>>)
    %slice3A_146 = vector.extract_strided_slice %get3A_4 {offsets = [12], sizes = [1], strides = [1]} : vector<16xi32> to vector<1xi32>
    %squeeze3A_147 = vector.extract %slice3A_146[0] : i32 from vector<1xi32>
    %add3A_148 = arith.constant 12 : i32
    %add3A_149 = arith.addi %mul3A_2, %add3A_148 : i32
    %dma_start3A_150 = arith.constant 0 : i32
    %dma_start3A_151 = tpu.memref_slice %arg6[%squeeze3A_147, %dma_start3A_150] : memref<30x1024xf32, #tpu.memory_space<vmem>> -> memref<1x1024xf32, #tpu.memory_space<vmem>>
    %dma_start3A_152 = arith.constant 0 : i32
    %dma_start3A_153 = tpu.memref_slice %arg4[%add3A_149, %dma_start3A_152] : memref<32768x1024xf32, #tpu.memory_space<hbm>> -> memref<1x1024xf32, #tpu.memory_space<hbm>>
    %dma_start3A_154 = arith.constant 0 : i32
    %dma_start3A_155 = tpu.memref_slice %arg4[%add3A_149, %dma_start3A_154] : memref<32768x1024xf32, #tpu.memory_space<hbm>> -> memref<1x1024xf32, #tpu.memory_space<hbm>>
    %dma_start3A_156 = arith.constant 0 : i32
    %dma_start3A_157 = tpu.memref_slice %arg6[%squeeze3A_147, %dma_start3A_156] : memref<30x1024xf32, #tpu.memory_space<vmem>> -> memref<1x1024xf32, #tpu.memory_space<vmem>>
    tpu.enqueue_dma source(%dma_start3A_157 : memref<1x1024xf32, #tpu.memory_space<vmem>>) target(%dma_start3A_155 : memref<1x1024xf32, #tpu.memory_space<hbm>>) target_semaphore(%arg7 : memref<!tpu.dma_semaphore, #tpu.memory_space<semaphore_mem>>)
    %slice3A_158 = vector.extract_strided_slice %get3A_4 {offsets = [13], sizes = [1], strides = [1]} : vector<16xi32> to vector<1xi32>
    %squeeze3A_159 = vector.extract %slice3A_158[0] : i32 from vector<1xi32>
    %add3A_160 = arith.constant 13 : i32
    %add3A_161 = arith.addi %mul3A_2, %add3A_160 : i32
    %dma_start3A_162 = arith.constant 0 : i32
    %dma_start3A_163 = tpu.memref_slice %arg6[%squeeze3A_159, %dma_start3A_162] : memref<30x1024xf32, #tpu.memory_space<vmem>> -> memref<1x1024xf32, #tpu.memory_space<vmem>>
    %dma_start3A_164 = arith.constant 0 : i32
    %dma_start3A_165 = tpu.memref_slice %arg4[%add3A_161, %dma_start3A_164] : memref<32768x1024xf32, #tpu.memory_space<hbm>> -> memref<1x1024xf32, #tpu.memory_space<hbm>>
    %dma_start3A_166 = arith.constant 0 : i32
    %dma_start3A_167 = tpu.memref_slice %arg4[%add3A_161, %dma_start3A_166] : memref<32768x1024xf32, #tpu.memory_space<hbm>> -> memref<1x1024xf32, #tpu.memory_space<hbm>>
    %dma_start3A_168 = arith.constant 0 : i32
    %dma_start3A_169 = tpu.memref_slice %arg6[%squeeze3A_159, %dma_start3A_168] : memref<30x1024xf32, #tpu.memory_space<vmem>> -> memref<1x1024xf32, #tpu.memory_space<vmem>>
    tpu.enqueue_dma source(%dma_start3A_169 : memref<1x1024xf32, #tpu.memory_space<vmem>>) target(%dma_start3A_167 : memref<1x1024xf32, #tpu.memory_space<hbm>>) target_semaphore(%arg7 : memref<!tpu.dma_semaphore, #tpu.memory_space<semaphore_mem>>)
    %slice3A_170 = vector.extract_strided_slice %get3A_4 {offsets = [14], sizes = [1], strides = [1]} : vector<16xi32> to vector<1xi32>
    %squeeze3A_171 = vector.extract %slice3A_170[0] : i32 from vector<1xi32>
    %add3A_172 = arith.constant 14 : i32
    %add3A_173 = arith.addi %mul3A_2, %add3A_172 : i32
    %dma_start3A_174 = arith.constant 0 : i32
    %dma_start3A_175 = tpu.memref_slice %arg6[%squeeze3A_171, %dma_start3A_174] : memref<30x1024xf32, #tpu.memory_space<vmem>> -> memref<1x1024xf32, #tpu.memory_space<vmem>>
    %dma_start3A_176 = arith.constant 0 : i32
    %dma_start3A_177 = tpu.memref_slice %arg4[%add3A_173, %dma_start3A_176] : memref<32768x1024xf32, #tpu.memory_space<hbm>> -> memref<1x1024xf32, #tpu.memory_space<hbm>>
    %dma_start3A_178 = arith.constant 0 : i32
    %dma_start3A_179 = tpu.memref_slice %arg4[%add3A_173, %dma_start3A_178] : memref<32768x1024xf32, #tpu.memory_space<hbm>> -> memref<1x1024xf32, #tpu.memory_space<hbm>>
    %dma_start3A_180 = arith.constant 0 : i32
    %dma_start3A_181 = tpu.memref_slice %arg6[%squeeze3A_171, %dma_start3A_180] : memref<30x1024xf32, #tpu.memory_space<vmem>> -> memref<1x1024xf32, #tpu.memory_space<vmem>>
    tpu.enqueue_dma source(%dma_start3A_181 : memref<1x1024xf32, #tpu.memory_space<vmem>>) target(%dma_start3A_179 : memref<1x1024xf32, #tpu.memory_space<hbm>>) target_semaphore(%arg7 : memref<!tpu.dma_semaphore, #tpu.memory_space<semaphore_mem>>)
    %slice3A_182 = vector.extract_strided_slice %get3A_4 {offsets = [15], sizes = [1], strides = [1]} : vector<16xi32> to vector<1xi32>
    %squeeze3A_183 = vector.extract %slice3A_182[0] : i32 from vector<1xi32>
    %add3A_184 = arith.constant 15 : i32
    %add3A_185 = arith.addi %mul3A_2, %add3A_184 : i32
    %dma_start3A_186 = arith.constant 0 : i32
    %dma_start3A_187 = tpu.memref_slice %arg6[%squeeze3A_183, %dma_start3A_186] : memref<30x1024xf32, #tpu.memory_space<vmem>> -> memref<1x1024xf32, #tpu.memory_space<vmem>>
    %dma_start3A_188 = arith.constant 0 : i32
    %dma_start3A_189 = tpu.memref_slice %arg4[%add3A_185, %dma_start3A_188] : memref<32768x1024xf32, #tpu.memory_space<hbm>> -> memref<1x1024xf32, #tpu.memory_space<hbm>>
    %dma_start3A_190 = arith.constant 0 : i32
    %dma_start3A_191 = tpu.memref_slice %arg4[%add3A_185, %dma_start3A_190] : memref<32768x1024xf32, #tpu.memory_space<hbm>> -> memref<1x1024xf32, #tpu.memory_space<hbm>>
    %dma_start3A_192 = arith.constant 0 : i32
    %dma_start3A_193 = tpu.memref_slice %arg6[%squeeze3A_183, %dma_start3A_192] : memref<30x1024xf32, #tpu.memory_space<vmem>> -> memref<1x1024xf32, #tpu.memory_space<vmem>>
    tpu.enqueue_dma source(%dma_start3A_193 : memref<1x1024xf32, #tpu.memory_space<vmem>>) target(%dma_start3A_191 : memref<1x1024xf32, #tpu.memory_space<hbm>>) target_semaphore(%arg7 : memref<!tpu.dma_semaphore, #tpu.memory_space<semaphore_mem>>)
    %scan3A = arith.constant 0 : i32
    %scan3A_194 = arith.constant 0 : i32
    %scan3A_195 = arith.constant 63 : i32
    %scan3A_196 = arith.addi %scan3A_194, %scan3A_195 : i32
    %scan3A_197 = arith.constant 1 : i32
    scf.for %scan3A_208 = %scan3A_194 to %scan3A_196 step %scan3A_197  : i32 {
      %add3A_209 = arith.constant 1 : i32
      %add3A_210 = arith.addi %scan3A_208, %add3A_209 : i32
      %mul3A_211 = arith.constant 16 : i32
      %mul3A_212 = arith.muli %add3A_210, %mul3A_211 : i32
      %add3A_213 = arith.constant 0 : i32
      %add3A_214 = arith.addi %mul3A_212, %add3A_213 : i32
      %get3A_215 = arith.index_cast %add3A_214 : i32 to index
      %get3A_216 = tpu.vector_load %arg5[%get3A_215] {strides = array<i32>} : memref<1024xi32, #tpu.memory_space<vmem>>, vector<16xi32>,
      %get3A_217 = vector.shape_cast %get3A_216 : vector<16xi32> to vector<16xi32>
      %mul3A_218 = arith.constant 16 : i32
      %mul3A_219 = arith.muli %add3A_210, %mul3A_218 : i32
      %add3A_220 = arith.constant 0 : i32
      %add3A_221 = arith.addi %mul3A_219, %add3A_220 : i32
      %add3A_222 = arith.constant 0 : i32
      %add3A_223 = arith.addi %add3A_221, %add3A_222 : i32
      %slice3A_224 = vector.extract_strided_slice %get3A_217 {offsets = [0], sizes = [1], strides = [1]} : vector<16xi32> to vector<1xi32>
      %squeeze3A_225 = vector.extract %slice3A_224[0] : i32 from vector<1xi32>
      %add3A_226 = arith.addi %mul3A_2, %add3A_223 : i32
      %dma_start3A_227 = arith.constant 0 : i32
      %dma_start3A_228 = tpu.memref_slice %arg6[%squeeze3A_225, %dma_start3A_227] : memref<30x1024xf32, #tpu.memory_space<vmem>> -> memref<1x1024xf32, #tpu.memory_space<vmem>>
      %dma_start3A_229 = arith.constant 0 : i32
      %dma_start3A_230 = tpu.memref_slice %arg4[%add3A_226, %dma_start3A_229] : memref<32768x1024xf32, #tpu.memory_space<hbm>> -> memref<1x1024xf32, #tpu.memory_space<hbm>>
      %dma_start3A_231 = arith.constant 0 : i32
      %dma_start3A_232 = tpu.memref_slice %arg4[%add3A_226, %dma_start3A_231] : memref<32768x1024xf32, #tpu.memory_space<hbm>> -> memref<1x1024xf32, #tpu.memory_space<hbm>>
      %dma_start3A_233 = arith.constant 0 : i32
      %dma_start3A_234 = tpu.memref_slice %arg6[%squeeze3A_225, %dma_start3A_233] : memref<30x1024xf32, #tpu.memory_space<vmem>> -> memref<1x1024xf32, #tpu.memory_space<vmem>>
      tpu.enqueue_dma source(%dma_start3A_234 : memref<1x1024xf32, #tpu.memory_space<vmem>>) target(%dma_start3A_232 : memref<1x1024xf32, #tpu.memory_space<hbm>>) target_semaphore(%arg7 : memref<!tpu.dma_semaphore, #tpu.memory_space<semaphore_mem>>)
      %mul3A_235 = arith.constant 16 : i32
      %mul3A_236 = arith.muli %add3A_210, %mul3A_235 : i32
      %add3A_237 = arith.constant 0 : i32
      %add3A_238 = arith.addi %mul3A_236, %add3A_237 : i32
      %add3A_239 = arith.constant 1 : i32
      %add3A_240 = arith.addi %add3A_238, %add3A_239 : i32
      %slice3A_241 = vector.extract_strided_slice %get3A_217 {offsets = [1], sizes = [1], strides = [1]} : vector<16xi32> to vector<1xi32>
      %squeeze3A_242 = vector.extract %slice3A_241[0] : i32 from vector<1xi32>
      %add3A_243 = arith.addi %mul3A_2, %add3A_240 : i32
      %dma_start3A_244 = arith.constant 0 : i32
      %dma_start3A_245 = tpu.memref_slice %arg6[%squeeze3A_242, %dma_start3A_244] : memref<30x1024xf32, #tpu.memory_space<vmem>> -> memref<1x1024xf32, #tpu.memory_space<vmem>>
      %dma_start3A_246 = arith.constant 0 : i32
      %dma_start3A_247 = tpu.memref_slice %arg4[%add3A_243, %dma_start3A_246] : memref<32768x1024xf32, #tpu.memory_space<hbm>> -> memref<1x1024xf32, #tpu.memory_space<hbm>>
      %dma_start3A_248 = arith.constant 0 : i32
      %dma_start3A_249 = tpu.memref_slice %arg4[%add3A_243, %dma_start3A_248] : memref<32768x1024xf32, #tpu.memory_space<hbm>> -> memref<1x1024xf32, #tpu.memory_space<hbm>>
      %dma_start3A_250 = arith.constant 0 : i32
      %dma_start3A_251 = tpu.memref_slice %arg6[%squeeze3A_242, %dma_start3A_250] : memref<30x1024xf32, #tpu.memory_space<vmem>> -> memref<1x1024xf32, #tpu.memory_space<vmem>>
      tpu.enqueue_dma source(%dma_start3A_251 : memref<1x1024xf32, #tpu.memory_space<vmem>>) target(%dma_start3A_249 : memref<1x1024xf32, #tpu.memory_space<hbm>>) target_semaphore(%arg7 : memref<!tpu.dma_semaphore, #tpu.memory_space<semaphore_mem>>)
      %mul3A_252 = arith.constant 16 : i32
      %mul3A_253 = arith.muli %add3A_210, %mul3A_252 : i32
      %add3A_254 = arith.constant 0 : i32
      %add3A_255 = arith.addi %mul3A_253, %add3A_254 : i32
      %add3A_256 = arith.constant 2 : i32
      %add3A_257 = arith.addi %add3A_255, %add3A_256 : i32
      %slice3A_258 = vector.extract_strided_slice %get3A_217 {offsets = [2], sizes = [1], strides = [1]} : vector<16xi32> to vector<1xi32>
      %squeeze3A_259 = vector.extract %slice3A_258[0] : i32 from vector<1xi32>
      %add3A_260 = arith.addi %mul3A_2, %add3A_257 : i32
      %dma_start3A_261 = arith.constant 0 : i32
      %dma_start3A_262 = tpu.memref_slice %arg6[%squeeze3A_259, %dma_start3A_261] : memref<30x1024xf32, #tpu.memory_space<vmem>> -> memref<1x1024xf32, #tpu.memory_space<vmem>>
      %dma_start3A_263 = arith.constant 0 : i32
      %dma_start3A_264 = tpu.memref_slice %arg4[%add3A_260, %dma_start3A_263] : memref<32768x1024xf32, #tpu.memory_space<hbm>> -> memref<1x1024xf32, #tpu.memory_space<hbm>>
      %dma_start3A_265 = arith.constant 0 : i32
      %dma_start3A_266 = tpu.memref_slice %arg4[%add3A_260, %dma_start3A_265] : memref<32768x1024xf32, #tpu.memory_space<hbm>> -> memref<1x1024xf32, #tpu.memory_space<hbm>>
      %dma_start3A_267 = arith.constant 0 : i32
      %dma_start3A_268 = tpu.memref_slice %arg6[%squeeze3A_259, %dma_start3A_267] : memref<30x1024xf32, #tpu.memory_space<vmem>> -> memref<1x1024xf32, #tpu.memory_space<vmem>>
      tpu.enqueue_dma source(%dma_start3A_268 : memref<1x1024xf32, #tpu.memory_space<vmem>>) target(%dma_start3A_266 : memref<1x1024xf32, #tpu.memory_space<hbm>>) target_semaphore(%arg7 : memref<!tpu.dma_semaphore, #tpu.memory_space<semaphore_mem>>)
      %mul3A_269 = arith.constant 16 : i32
      %mul3A_270 = arith.muli %add3A_210, %mul3A_269 : i32
      %add3A_271 = arith.constant 0 : i32
      %add3A_272 = arith.addi %mul3A_270, %add3A_271 : i32
      %add3A_273 = arith.constant 3 : i32
      %add3A_274 = arith.addi %add3A_272, %add3A_273 : i32
      %slice3A_275 = vector.extract_strided_slice %get3A_217 {offsets = [3], sizes = [1], strides = [1]} : vector<16xi32> to vector<1xi32>
      %squeeze3A_276 = vector.extract %slice3A_275[0] : i32 from vector<1xi32>
      %add3A_277 = arith.addi %mul3A_2, %add3A_274 : i32
      %dma_start3A_278 = arith.constant 0 : i32
      %dma_start3A_279 = tpu.memref_slice %arg6[%squeeze3A_276, %dma_start3A_278] : memref<30x1024xf32, #tpu.memory_space<vmem>> -> memref<1x1024xf32, #tpu.memory_space<vmem>>
      %dma_start3A_280 = arith.constant 0 : i32
      %dma_start3A_281 = tpu.memref_slice %arg4[%add3A_277, %dma_start3A_280] : memref<32768x1024xf32, #tpu.memory_space<hbm>> -> memref<1x1024xf32, #tpu.memory_space<hbm>>
      %dma_start3A_282 = arith.constant 0 : i32
      %dma_start3A_283 = tpu.memref_slice %arg4[%add3A_277, %dma_start3A_282] : memref<32768x1024xf32, #tpu.memory_space<hbm>> -> memref<1x1024xf32, #tpu.memory_space<hbm>>
      %dma_start3A_284 = arith.constant 0 : i32
      %dma_start3A_285 = tpu.memref_slice %arg6[%squeeze3A_276, %dma_start3A_284] : memref<30x1024xf32, #tpu.memory_space<vmem>> -> memref<1x1024xf32, #tpu.memory_space<vmem>>
      tpu.enqueue_dma source(%dma_start3A_285 : memref<1x1024xf32, #tpu.memory_space<vmem>>) target(%dma_start3A_283 : memref<1x1024xf32, #tpu.memory_space<hbm>>) target_semaphore(%arg7 : memref<!tpu.dma_semaphore, #tpu.memory_space<semaphore_mem>>)
      %mul3A_286 = arith.constant 16 : i32
      %mul3A_287 = arith.muli %add3A_210, %mul3A_286 : i32
      %add3A_288 = arith.constant 0 : i32
      %add3A_289 = arith.addi %mul3A_287, %add3A_288 : i32
      %add3A_290 = arith.constant 4 : i32
      %add3A_291 = arith.addi %add3A_289, %add3A_290 : i32
      %slice3A_292 = vector.extract_strided_slice %get3A_217 {offsets = [4], sizes = [1], strides = [1]} : vector<16xi32> to vector<1xi32>
      %squeeze3A_293 = vector.extract %slice3A_292[0] : i32 from vector<1xi32>
      %add3A_294 = arith.addi %mul3A_2, %add3A_291 : i32
      %dma_start3A_295 = arith.constant 0 : i32
      %dma_start3A_296 = tpu.memref_slice %arg6[%squeeze3A_293, %dma_start3A_295] : memref<30x1024xf32, #tpu.memory_space<vmem>> -> memref<1x1024xf32, #tpu.memory_space<vmem>>
      %dma_start3A_297 = arith.constant 0 : i32
      %dma_start3A_298 = tpu.memref_slice %arg4[%add3A_294, %dma_start3A_297] : memref<32768x1024xf32, #tpu.memory_space<hbm>> -> memref<1x1024xf32, #tpu.memory_space<hbm>>
      %dma_start3A_299 = arith.constant 0 : i32
      %dma_start3A_300 = tpu.memref_slice %arg4[%add3A_294, %dma_start3A_299] : memref<32768x1024xf32, #tpu.memory_space<hbm>> -> memref<1x1024xf32, #tpu.memory_space<hbm>>
      %dma_start3A_301 = arith.constant 0 : i32
      %dma_start3A_302 = tpu.memref_slice %arg6[%squeeze3A_293, %dma_start3A_301] : memref<30x1024xf32, #tpu.memory_space<vmem>> -> memref<1x1024xf32, #tpu.memory_space<vmem>>
      tpu.enqueue_dma source(%dma_start3A_302 : memref<1x1024xf32, #tpu.memory_space<vmem>>) target(%dma_start3A_300 : memref<1x1024xf32, #tpu.memory_space<hbm>>) target_semaphore(%arg7 : memref<!tpu.dma_semaphore, #tpu.memory_space<semaphore_mem>>)
      %mul3A_303 = arith.constant 16 : i32
      %mul3A_304 = arith.muli %add3A_210, %mul3A_303 : i32
      %add3A_305 = arith.constant 0 : i32
      %add3A_306 = arith.addi %mul3A_304, %add3A_305 : i32
      %add3A_307 = arith.constant 5 : i32
      %add3A_308 = arith.addi %add3A_306, %add3A_307 : i32
      %slice3A_309 = vector.extract_strided_slice %get3A_217 {offsets = [5], sizes = [1], strides = [1]} : vector<16xi32> to vector<1xi32>
      %squeeze3A_310 = vector.extract %slice3A_309[0] : i32 from vector<1xi32>
      %add3A_311 = arith.addi %mul3A_2, %add3A_308 : i32
      %dma_start3A_312 = arith.constant 0 : i32
      %dma_start3A_313 = tpu.memref_slice %arg6[%squeeze3A_310, %dma_start3A_312] : memref<30x1024xf32, #tpu.memory_space<vmem>> -> memref<1x1024xf32, #tpu.memory_space<vmem>>
      %dma_start3A_314 = arith.constant 0 : i32
      %dma_start3A_315 = tpu.memref_slice %arg4[%add3A_311, %dma_start3A_314] : memref<32768x1024xf32, #tpu.memory_space<hbm>> -> memref<1x1024xf32, #tpu.memory_space<hbm>>
      %dma_start3A_316 = arith.constant 0 : i32
      %dma_start3A_317 = tpu.memref_slice %arg4[%add3A_311, %dma_start3A_316] : memref<32768x1024xf32, #tpu.memory_space<hbm>> -> memref<1x1024xf32, #tpu.memory_space<hbm>>
      %dma_start3A_318 = arith.constant 0 : i32
      %dma_start3A_319 = tpu.memref_slice %arg6[%squeeze3A_310, %dma_start3A_318] : memref<30x1024xf32, #tpu.memory_space<vmem>> -> memref<1x1024xf32, #tpu.memory_space<vmem>>
      tpu.enqueue_dma source(%dma_start3A_319 : memref<1x1024xf32, #tpu.memory_space<vmem>>) target(%dma_start3A_317 : memref<1x1024xf32, #tpu.memory_space<hbm>>) target_semaphore(%arg7 : memref<!tpu.dma_semaphore, #tpu.memory_space<semaphore_mem>>)
      %mul3A_320 = arith.constant 16 : i32
      %mul3A_321 = arith.muli %add3A_210, %mul3A_320 : i32
      %add3A_322 = arith.constant 0 : i32
      %add3A_323 = arith.addi %mul3A_321, %add3A_322 : i32
      %add3A_324 = arith.constant 6 : i32
      %add3A_325 = arith.addi %add3A_323, %add3A_324 : i32
      %slice3A_326 = vector.extract_strided_slice %get3A_217 {offsets = [6], sizes = [1], strides = [1]} : vector<16xi32> to vector<1xi32>
      %squeeze3A_327 = vector.extract %slice3A_326[0] : i32 from vector<1xi32>
      %add3A_328 = arith.addi %mul3A_2, %add3A_325 : i32
      %dma_start3A_329 = arith.constant 0 : i32
      %dma_start3A_330 = tpu.memref_slice %arg6[%squeeze3A_327, %dma_start3A_329] : memref<30x1024xf32, #tpu.memory_space<vmem>> -> memref<1x1024xf32, #tpu.memory_space<vmem>>
      %dma_start3A_331 = arith.constant 0 : i32
      %dma_start3A_332 = tpu.memref_slice %arg4[%add3A_328, %dma_start3A_331] : memref<32768x1024xf32, #tpu.memory_space<hbm>> -> memref<1x1024xf32, #tpu.memory_space<hbm>>
      %dma_start3A_333 = arith.constant 0 : i32
      %dma_start3A_334 = tpu.memref_slice %arg4[%add3A_328, %dma_start3A_333] : memref<32768x1024xf32, #tpu.memory_space<hbm>> -> memref<1x1024xf32, #tpu.memory_space<hbm>>
      %dma_start3A_335 = arith.constant 0 : i32
      %dma_start3A_336 = tpu.memref_slice %arg6[%squeeze3A_327, %dma_start3A_335] : memref<30x1024xf32, #tpu.memory_space<vmem>> -> memref<1x1024xf32, #tpu.memory_space<vmem>>
      tpu.enqueue_dma source(%dma_start3A_336 : memref<1x1024xf32, #tpu.memory_space<vmem>>) target(%dma_start3A_334 : memref<1x1024xf32, #tpu.memory_space<hbm>>) target_semaphore(%arg7 : memref<!tpu.dma_semaphore, #tpu.memory_space<semaphore_mem>>)
      %mul3A_337 = arith.constant 16 : i32
      %mul3A_338 = arith.muli %add3A_210, %mul3A_337 : i32
      %add3A_339 = arith.constant 0 : i32
      %add3A_340 = arith.addi %mul3A_338, %add3A_339 : i32
      %add3A_341 = arith.constant 7 : i32
      %add3A_342 = arith.addi %add3A_340, %add3A_341 : i32
      %slice3A_343 = vector.extract_strided_slice %get3A_217 {offsets = [7], sizes = [1], strides = [1]} : vector<16xi32> to vector<1xi32>
      %squeeze3A_344 = vector.extract %slice3A_343[0] : i32 from vector<1xi32>
      %add3A_345 = arith.addi %mul3A_2, %add3A_342 : i32
      %dma_start3A_346 = arith.constant 0 : i32
      %dma_start3A_347 = tpu.memref_slice %arg6[%squeeze3A_344, %dma_start3A_346] : memref<30x1024xf32, #tpu.memory_space<vmem>> -> memref<1x1024xf32, #tpu.memory_space<vmem>>
      %dma_start3A_348 = arith.constant 0 : i32
      %dma_start3A_349 = tpu.memref_slice %arg4[%add3A_345, %dma_start3A_348] : memref<32768x1024xf32, #tpu.memory_space<hbm>> -> memref<1x1024xf32, #tpu.memory_space<hbm>>
      %dma_start3A_350 = arith.constant 0 : i32
      %dma_start3A_351 = tpu.memref_slice %arg4[%add3A_345, %dma_start3A_350] : memref<32768x1024xf32, #tpu.memory_space<hbm>> -> memref<1x1024xf32, #tpu.memory_space<hbm>>
      %dma_start3A_352 = arith.constant 0 : i32
      %dma_start3A_353 = tpu.memref_slice %arg6[%squeeze3A_344, %dma_start3A_352] : memref<30x1024xf32, #tpu.memory_space<vmem>> -> memref<1x1024xf32, #tpu.memory_space<vmem>>
      tpu.enqueue_dma source(%dma_start3A_353 : memref<1x1024xf32, #tpu.memory_space<vmem>>) target(%dma_start3A_351 : memref<1x1024xf32, #tpu.memory_space<hbm>>) target_semaphore(%arg7 : memref<!tpu.dma_semaphore, #tpu.memory_space<semaphore_mem>>)
      %mul3A_354 = arith.constant 16 : i32
      %mul3A_355 = arith.muli %add3A_210, %mul3A_354 : i32
      %add3A_356 = arith.constant 0 : i32
      %add3A_357 = arith.addi %mul3A_355, %add3A_356 : i32
      %add3A_358 = arith.constant 8 : i32
      %add3A_359 = arith.addi %add3A_357, %add3A_358 : i32
      %slice3A_360 = vector.extract_strided_slice %get3A_217 {offsets = [8], sizes = [1], strides = [1]} : vector<16xi32> to vector<1xi32>
      %squeeze3A_361 = vector.extract %slice3A_360[0] : i32 from vector<1xi32>
      %add3A_362 = arith.addi %mul3A_2, %add3A_359 : i32
      %dma_start3A_363 = arith.constant 0 : i32
      %dma_start3A_364 = tpu.memref_slice %arg6[%squeeze3A_361, %dma_start3A_363] : memref<30x1024xf32, #tpu.memory_space<vmem>> -> memref<1x1024xf32, #tpu.memory_space<vmem>>
      %dma_start3A_365 = arith.constant 0 : i32
      %dma_start3A_366 = tpu.memref_slice %arg4[%add3A_362, %dma_start3A_365] : memref<32768x1024xf32, #tpu.memory_space<hbm>> -> memref<1x1024xf32, #tpu.memory_space<hbm>>
      %dma_start3A_367 = arith.constant 0 : i32
      %dma_start3A_368 = tpu.memref_slice %arg4[%add3A_362, %dma_start3A_367] : memref<32768x1024xf32, #tpu.memory_space<hbm>> -> memref<1x1024xf32, #tpu.memory_space<hbm>>
      %dma_start3A_369 = arith.constant 0 : i32
      %dma_start3A_370 = tpu.memref_slice %arg6[%squeeze3A_361, %dma_start3A_369] : memref<30x1024xf32, #tpu.memory_space<vmem>> -> memref<1x1024xf32, #tpu.memory_space<vmem>>
      tpu.enqueue_dma source(%dma_start3A_370 : memref<1x1024xf32, #tpu.memory_space<vmem>>) target(%dma_start3A_368 : memref<1x1024xf32, #tpu.memory_space<hbm>>) target_semaphore(%arg7 : memref<!tpu.dma_semaphore, #tpu.memory_space<semaphore_mem>>)
      %mul3A_371 = arith.constant 16 : i32
      %mul3A_372 = arith.muli %add3A_210, %mul3A_371 : i32
      %add3A_373 = arith.constant 0 : i32
      %add3A_374 = arith.addi %mul3A_372, %add3A_373 : i32
      %add3A_375 = arith.constant 9 : i32
      %add3A_376 = arith.addi %add3A_374, %add3A_375 : i32
      %slice3A_377 = vector.extract_strided_slice %get3A_217 {offsets = [9], sizes = [1], strides = [1]} : vector<16xi32> to vector<1xi32>
      %squeeze3A_378 = vector.extract %slice3A_377[0] : i32 from vector<1xi32>
      %add3A_379 = arith.addi %mul3A_2, %add3A_376 : i32
      %dma_start3A_380 = arith.constant 0 : i32
      %dma_start3A_381 = tpu.memref_slice %arg6[%squeeze3A_378, %dma_start3A_380] : memref<30x1024xf32, #tpu.memory_space<vmem>> -> memref<1x1024xf32, #tpu.memory_space<vmem>>
      %dma_start3A_382 = arith.constant 0 : i32
      %dma_start3A_383 = tpu.memref_slice %arg4[%add3A_379, %dma_start3A_382] : memref<32768x1024xf32, #tpu.memory_space<hbm>> -> memref<1x1024xf32, #tpu.memory_space<hbm>>
      %dma_start3A_384 = arith.constant 0 : i32
      %dma_start3A_385 = tpu.memref_slice %arg4[%add3A_379, %dma_start3A_384] : memref<32768x1024xf32, #tpu.memory_space<hbm>> -> memref<1x1024xf32, #tpu.memory_space<hbm>>
      %dma_start3A_386 = arith.constant 0 : i32
      %dma_start3A_387 = tpu.memref_slice %arg6[%squeeze3A_378, %dma_start3A_386] : memref<30x1024xf32, #tpu.memory_space<vmem>> -> memref<1x1024xf32, #tpu.memory_space<vmem>>
      tpu.enqueue_dma source(%dma_start3A_387 : memref<1x1024xf32, #tpu.memory_space<vmem>>) target(%dma_start3A_385 : memref<1x1024xf32, #tpu.memory_space<hbm>>) target_semaphore(%arg7 : memref<!tpu.dma_semaphore, #tpu.memory_space<semaphore_mem>>)
      %mul3A_388 = arith.constant 16 : i32
      %mul3A_389 = arith.muli %add3A_210, %mul3A_388 : i32
      %add3A_390 = arith.constant 0 : i32
      %add3A_391 = arith.addi %mul3A_389, %add3A_390 : i32
      %add3A_392 = arith.constant 10 : i32
      %add3A_393 = arith.addi %add3A_391, %add3A_392 : i32
      %slice3A_394 = vector.extract_strided_slice %get3A_217 {offsets = [10], sizes = [1], strides = [1]} : vector<16xi32> to vector<1xi32>
      %squeeze3A_395 = vector.extract %slice3A_394[0] : i32 from vector<1xi32>
      %add3A_396 = arith.addi %mul3A_2, %add3A_393 : i32
      %dma_start3A_397 = arith.constant 0 : i32
      %dma_start3A_398 = tpu.memref_slice %arg6[%squeeze3A_395, %dma_start3A_397] : memref<30x1024xf32, #tpu.memory_space<vmem>> -> memref<1x1024xf32, #tpu.memory_space<vmem>>
      %dma_start3A_399 = arith.constant 0 : i32
      %dma_start3A_400 = tpu.memref_slice %arg4[%add3A_396, %dma_start3A_399] : memref<32768x1024xf32, #tpu.memory_space<hbm>> -> memref<1x1024xf32, #tpu.memory_space<hbm>>
      %dma_start3A_401 = arith.constant 0 : i32
      %dma_start3A_402 = tpu.memref_slice %arg4[%add3A_396, %dma_start3A_401] : memref<32768x1024xf32, #tpu.memory_space<hbm>> -> memref<1x1024xf32, #tpu.memory_space<hbm>>
      %dma_start3A_403 = arith.constant 0 : i32
      %dma_start3A_404 = tpu.memref_slice %arg6[%squeeze3A_395, %dma_start3A_403] : memref<30x1024xf32, #tpu.memory_space<vmem>> -> memref<1x1024xf32, #tpu.memory_space<vmem>>
      tpu.enqueue_dma source(%dma_start3A_404 : memref<1x1024xf32, #tpu.memory_space<vmem>>) target(%dma_start3A_402 : memref<1x1024xf32, #tpu.memory_space<hbm>>) target_semaphore(%arg7 : memref<!tpu.dma_semaphore, #tpu.memory_space<semaphore_mem>>)
      %mul3A_405 = arith.constant 16 : i32
      %mul3A_406 = arith.muli %add3A_210, %mul3A_405 : i32
      %add3A_407 = arith.constant 0 : i32
      %add3A_408 = arith.addi %mul3A_406, %add3A_407 : i32
      %add3A_409 = arith.constant 11 : i32
      %add3A_410 = arith.addi %add3A_408, %add3A_409 : i32
      %slice3A_411 = vector.extract_strided_slice %get3A_217 {offsets = [11], sizes = [1], strides = [1]} : vector<16xi32> to vector<1xi32>
      %squeeze3A_412 = vector.extract %slice3A_411[0] : i32 from vector<1xi32>
      %add3A_413 = arith.addi %mul3A_2, %add3A_410 : i32
      %dma_start3A_414 = arith.constant 0 : i32
      %dma_start3A_415 = tpu.memref_slice %arg6[%squeeze3A_412, %dma_start3A_414] : memref<30x1024xf32, #tpu.memory_space<vmem>> -> memref<1x1024xf32, #tpu.memory_space<vmem>>
      %dma_start3A_416 = arith.constant 0 : i32
      %dma_start3A_417 = tpu.memref_slice %arg4[%add3A_413, %dma_start3A_416] : memref<32768x1024xf32, #tpu.memory_space<hbm>> -> memref<1x1024xf32, #tpu.memory_space<hbm>>
      %dma_start3A_418 = arith.constant 0 : i32
      %dma_start3A_419 = tpu.memref_slice %arg4[%add3A_413, %dma_start3A_418] : memref<32768x1024xf32, #tpu.memory_space<hbm>> -> memref<1x1024xf32, #tpu.memory_space<hbm>>
      %dma_start3A_420 = arith.constant 0 : i32
      %dma_start3A_421 = tpu.memref_slice %arg6[%squeeze3A_412, %dma_start3A_420] : memref<30x1024xf32, #tpu.memory_space<vmem>> -> memref<1x1024xf32, #tpu.memory_space<vmem>>
      tpu.enqueue_dma source(%dma_start3A_421 : memref<1x1024xf32, #tpu.memory_space<vmem>>) target(%dma_start3A_419 : memref<1x1024xf32, #tpu.memory_space<hbm>>) target_semaphore(%arg7 : memref<!tpu.dma_semaphore, #tpu.memory_space<semaphore_mem>>)
      %mul3A_422 = arith.constant 16 : i32
      %mul3A_423 = arith.muli %add3A_210, %mul3A_422 : i32
      %add3A_424 = arith.constant 0 : i32
      %add3A_425 = arith.addi %mul3A_423, %add3A_424 : i32
      %add3A_426 = arith.constant 12 : i32
      %add3A_427 = arith.addi %add3A_425, %add3A_426 : i32
      %slice3A_428 = vector.extract_strided_slice %get3A_217 {offsets = [12], sizes = [1], strides = [1]} : vector<16xi32> to vector<1xi32>
      %squeeze3A_429 = vector.extract %slice3A_428[0] : i32 from vector<1xi32>
      %add3A_430 = arith.addi %mul3A_2, %add3A_427 : i32
      %dma_start3A_431 = arith.constant 0 : i32
      %dma_start3A_432 = tpu.memref_slice %arg6[%squeeze3A_429, %dma_start3A_431] : memref<30x1024xf32, #tpu.memory_space<vmem>> -> memref<1x1024xf32, #tpu.memory_space<vmem>>
      %dma_start3A_433 = arith.constant 0 : i32
      %dma_start3A_434 = tpu.memref_slice %arg4[%add3A_430, %dma_start3A_433] : memref<32768x1024xf32, #tpu.memory_space<hbm>> -> memref<1x1024xf32, #tpu.memory_space<hbm>>
      %dma_start3A_435 = arith.constant 0 : i32
      %dma_start3A_436 = tpu.memref_slice %arg4[%add3A_430, %dma_start3A_435] : memref<32768x1024xf32, #tpu.memory_space<hbm>> -> memref<1x1024xf32, #tpu.memory_space<hbm>>
      %dma_start3A_437 = arith.constant 0 : i32
      %dma_start3A_438 = tpu.memref_slice %arg6[%squeeze3A_429, %dma_start3A_437] : memref<30x1024xf32, #tpu.memory_space<vmem>> -> memref<1x1024xf32, #tpu.memory_space<vmem>>
      tpu.enqueue_dma source(%dma_start3A_438 : memref<1x1024xf32, #tpu.memory_space<vmem>>) target(%dma_start3A_436 : memref<1x1024xf32, #tpu.memory_space<hbm>>) target_semaphore(%arg7 : memref<!tpu.dma_semaphore, #tpu.memory_space<semaphore_mem>>)
      %mul3A_439 = arith.constant 16 : i32
      %mul3A_440 = arith.muli %add3A_210, %mul3A_439 : i32
      %add3A_441 = arith.constant 0 : i32
      %add3A_442 = arith.addi %mul3A_440, %add3A_441 : i32
      %add3A_443 = arith.constant 13 : i32
      %add3A_444 = arith.addi %add3A_442, %add3A_443 : i32
      %slice3A_445 = vector.extract_strided_slice %get3A_217 {offsets = [13], sizes = [1], strides = [1]} : vector<16xi32> to vector<1xi32>
      %squeeze3A_446 = vector.extract %slice3A_445[0] : i32 from vector<1xi32>
      %add3A_447 = arith.addi %mul3A_2, %add3A_444 : i32
      %dma_start3A_448 = arith.constant 0 : i32
      %dma_start3A_449 = tpu.memref_slice %arg6[%squeeze3A_446, %dma_start3A_448] : memref<30x1024xf32, #tpu.memory_space<vmem>> -> memref<1x1024xf32, #tpu.memory_space<vmem>>
      %dma_start3A_450 = arith.constant 0 : i32
      %dma_start3A_451 = tpu.memref_slice %arg4[%add3A_447, %dma_start3A_450] : memref<32768x1024xf32, #tpu.memory_space<hbm>> -> memref<1x1024xf32, #tpu.memory_space<hbm>>
      %dma_start3A_452 = arith.constant 0 : i32
      %dma_start3A_453 = tpu.memref_slice %arg4[%add3A_447, %dma_start3A_452] : memref<32768x1024xf32, #tpu.memory_space<hbm>> -> memref<1x1024xf32, #tpu.memory_space<hbm>>
      %dma_start3A_454 = arith.constant 0 : i32
      %dma_start3A_455 = tpu.memref_slice %arg6[%squeeze3A_446, %dma_start3A_454] : memref<30x1024xf32, #tpu.memory_space<vmem>> -> memref<1x1024xf32, #tpu.memory_space<vmem>>
      tpu.enqueue_dma source(%dma_start3A_455 : memref<1x1024xf32, #tpu.memory_space<vmem>>) target(%dma_start3A_453 : memref<1x1024xf32, #tpu.memory_space<hbm>>) target_semaphore(%arg7 : memref<!tpu.dma_semaphore, #tpu.memory_space<semaphore_mem>>)
      %mul3A_456 = arith.constant 16 : i32
      %mul3A_457 = arith.muli %add3A_210, %mul3A_456 : i32
      %add3A_458 = arith.constant 0 : i32
      %add3A_459 = arith.addi %mul3A_457, %add3A_458 : i32
      %add3A_460 = arith.constant 14 : i32
      %add3A_461 = arith.addi %add3A_459, %add3A_460 : i32
      %slice3A_462 = vector.extract_strided_slice %get3A_217 {offsets = [14], sizes = [1], strides = [1]} : vector<16xi32> to vector<1xi32>
      %squeeze3A_463 = vector.extract %slice3A_462[0] : i32 from vector<1xi32>
      %add3A_464 = arith.addi %mul3A_2, %add3A_461 : i32
      %dma_start3A_465 = arith.constant 0 : i32
      %dma_start3A_466 = tpu.memref_slice %arg6[%squeeze3A_463, %dma_start3A_465] : memref<30x1024xf32, #tpu.memory_space<vmem>> -> memref<1x1024xf32, #tpu.memory_space<vmem>>
      %dma_start3A_467 = arith.constant 0 : i32
      %dma_start3A_468 = tpu.memref_slice %arg4[%add3A_464, %dma_start3A_467] : memref<32768x1024xf32, #tpu.memory_space<hbm>> -> memref<1x1024xf32, #tpu.memory_space<hbm>>
      %dma_start3A_469 = arith.constant 0 : i32
      %dma_start3A_470 = tpu.memref_slice %arg4[%add3A_464, %dma_start3A_469] : memref<32768x1024xf32, #tpu.memory_space<hbm>> -> memref<1x1024xf32, #tpu.memory_space<hbm>>
      %dma_start3A_471 = arith.constant 0 : i32
      %dma_start3A_472 = tpu.memref_slice %arg6[%squeeze3A_463, %dma_start3A_471] : memref<30x1024xf32, #tpu.memory_space<vmem>> -> memref<1x1024xf32, #tpu.memory_space<vmem>>
      tpu.enqueue_dma source(%dma_start3A_472 : memref<1x1024xf32, #tpu.memory_space<vmem>>) target(%dma_start3A_470 : memref<1x1024xf32, #tpu.memory_space<hbm>>) target_semaphore(%arg7 : memref<!tpu.dma_semaphore, #tpu.memory_space<semaphore_mem>>)
      %mul3A_473 = arith.constant 16 : i32
      %mul3A_474 = arith.muli %add3A_210, %mul3A_473 : i32
      %add3A_475 = arith.constant 0 : i32
      %add3A_476 = arith.addi %mul3A_474, %add3A_475 : i32
      %add3A_477 = arith.constant 15 : i32
      %add3A_478 = arith.addi %add3A_476, %add3A_477 : i32
      %slice3A_479 = vector.extract_strided_slice %get3A_217 {offsets = [15], sizes = [1], strides = [1]} : vector<16xi32> to vector<1xi32>
      %squeeze3A_480 = vector.extract %slice3A_479[0] : i32 from vector<1xi32>
      %add3A_481 = arith.addi %mul3A_2, %add3A_478 : i32
      %dma_start3A_482 = arith.constant 0 : i32
      %dma_start3A_483 = tpu.memref_slice %arg6[%squeeze3A_480, %dma_start3A_482] : memref<30x1024xf32, #tpu.memory_space<vmem>> -> memref<1x1024xf32, #tpu.memory_space<vmem>>
      %dma_start3A_484 = arith.constant 0 : i32
      %dma_start3A_485 = tpu.memref_slice %arg4[%add3A_481, %dma_start3A_484] : memref<32768x1024xf32, #tpu.memory_space<hbm>> -> memref<1x1024xf32, #tpu.memory_space<hbm>>
      %dma_start3A_486 = arith.constant 0 : i32
      %dma_start3A_487 = tpu.memref_slice %arg4[%add3A_481, %dma_start3A_486] : memref<32768x1024xf32, #tpu.memory_space<hbm>> -> memref<1x1024xf32, #tpu.memory_space<hbm>>
      %dma_start3A_488 = arith.constant 0 : i32
      %dma_start3A_489 = tpu.memref_slice %arg6[%squeeze3A_480, %dma_start3A_488] : memref<30x1024xf32, #tpu.memory_space<vmem>> -> memref<1x1024xf32, #tpu.memory_space<vmem>>
      tpu.enqueue_dma source(%dma_start3A_489 : memref<1x1024xf32, #tpu.memory_space<vmem>>) target(%dma_start3A_487 : memref<1x1024xf32, #tpu.memory_space<hbm>>) target_semaphore(%arg7 : memref<!tpu.dma_semaphore, #tpu.memory_space<semaphore_mem>>)
      %dma_wait3A_490 = arith.constant 0 : i32
      %dma_wait3A_491 = arith.constant 0 : i32
      %dma_wait3A_492 = tpu.memref_slice %arg6[%dma_wait3A_490, %dma_wait3A_491] : memref<30x1024xf32, #tpu.memory_space<vmem>> -> memref<16x1024xf32, #tpu.memory_space<vmem>>
      %dma_wait3A_493 = arith.constant 0 : i32
      %dma_wait3A_494 = tpu.memref_slice %arg4[%mul3A_2, %dma_wait3A_493] : memref<32768x1024xf32, #tpu.memory_space<hbm>> -> memref<16x1024xf32, #tpu.memory_space<hbm>>
      %dma_wait3A_495 = arith.constant 0 : i32
      %dma_wait3A_496 = tpu.memref_slice %arg4[%mul3A_2, %dma_wait3A_495] : memref<32768x1024xf32, #tpu.memory_space<hbm>> -> memref<16x1024xf32, #tpu.memory_space<hbm>>
      %dma_wait3A_497 = arith.constant 0 : i32
      %dma_wait3A_498 = arith.constant 0 : i32
      %dma_wait3A_499 = tpu.memref_slice %arg6[%dma_wait3A_497, %dma_wait3A_498] : memref<30x1024xf32, #tpu.memory_space<vmem>> -> memref<16x1024xf32, #tpu.memory_space<vmem>>
      tpu.wait_dma2 semaphore(%arg7 : memref<!tpu.dma_semaphore, #tpu.memory_space<semaphore_mem>>) src(%dma_wait3A_499 : memref<16x1024xf32, #tpu.memory_space<vmem>>) dst(%dma_wait3A_496 : memref<16x1024xf32, #tpu.memory_space<hbm>>)
    }
    %scan3A_198 = arith.constant 63 : i32
    %dma_wait3A = arith.constant 0 : i32
    %dma_wait3A_199 = arith.constant 0 : i32
    %dma_wait3A_200 = tpu.memref_slice %arg6[%dma_wait3A, %dma_wait3A_199] : memref<30x1024xf32, #tpu.memory_space<vmem>> -> memref<16x1024xf32, #tpu.memory_space<vmem>>
    %dma_wait3A_201 = arith.constant 0 : i32
    %dma_wait3A_202 = tpu.memref_slice %arg4[%mul3A_2, %dma_wait3A_201] : memref<32768x1024xf32, #tpu.memory_space<hbm>> -> memref<16x1024xf32, #tpu.memory_space<hbm>>
    %dma_wait3A_203 = arith.constant 0 : i32
    %dma_wait3A_204 = tpu.memref_slice %arg4[%mul3A_2, %dma_wait3A_203] : memref<32768x1024xf32, #tpu.memory_space<hbm>> -> memref<16x1024xf32, #tpu.memory_space<hbm>>
    %dma_wait3A_205 = arith.constant 0 : i32
    %dma_wait3A_206 = arith.constant 0 : i32
    %dma_wait3A_207 = tpu.memref_slice %arg6[%dma_wait3A_205, %dma_wait3A_206] : memref<30x1024xf32, #tpu.memory_space<vmem>> -> memref<16x1024xf32, #tpu.memory_space<vmem>>
    tpu.wait_dma2 semaphore(%arg7 : memref<!tpu.dma_semaphore, #tpu.memory_space<semaphore_mem>>) src(%dma_wait3A_207 : memref<16x1024xf32, #tpu.memory_space<vmem>>) dst(%dma_wait3A_204 : memref<16x1024xf32, #tpu.memory_space<hbm>>)
    return
  }
}

</mosaic_0001>

<sc_bundles>
// kernel: kernel.3.cloned.1.call-start
scs
__scs_entry_jumppad:
0x0: {  	(pc) =	sbr.rel $0x88, $3  }
0x1: {  	(tag) =	ssettag $0x0;
	lr =	simm.s32 $0x1  }
0x2: {  	[smem:$0x3F9F] =	sst lr;
	_ =	strace $0xD0000000  }
0x3: {  	_ = 	snop  }
0x4: {  	_ = 	snop  }
0x5: {  	_ = 	snop  }
0x6: {  	_ = 	snop  }
0x7: {  	_ = 	snop  }
__scs_overlays_trampoline_lowered:
0x8: {  	[smem:$0x3FAE] =	sst s0  }
0x9: {  	[smem:$0x3FAF] =	sst s1  }
0xa: {  	[smem:$0x3FB0] =	sst s2  }
0xb: {  	[smem:$0x3FB1] =	sst s3  }
0xc: {  	[smem:$0x3FB2] =	sst s4  }
0xd: {  	[smem:$0x3FB3] =	sst s5  }
0xe: {  	[smem:$0x3FB4] =	sst s6  }
0xf: {  	[smem:$0x3FB5] =	sst s7  }
0x10: {  	[smem:$0x3FB6] =	sst s8  }
0x11: {  	[smem:$0x3FB7] =	sst s9;
	s0 =	simm.s32 @!p0 $0x0  }
0x12: {  	s1 =	sld [smem:$0x3F9D];
	s0 =	simm.s32 @p0 $0x1  }
0x13: {  	[smem:$0x3FB8] =	sst s0;
	s0 =	simm.s32 @!p1 $0x0  }
0x14: {  	s2 =	sld [smem:$0x3F9C];
	s0 =	simm.s32 @p1 $0x1  }
0x15: {  	[smem:$0x3FB9] =	sst s0;
	s0 =	simm.s32 @!p2 $0x0  }
0x16: {  	s3 =	sld [smem:$0x3FDB];
	s0 =	simm.s32 @p2 $0x1  }
0x17: {  	s4 =	simm.s32 $0x1BF5;
	[smem:$0x3FBB] =	sst s0  }
0x18: {  	s0 =	sld [smem:$0x3F9E];
	_ =	swait.ge [sflag:s4], $0x0  }
0x19: {  	s7 =	sld [smem:$0x3F9F]  }
0x1a: {  	s8 =	sadd.s32 $0xFFFFE003, lr  }
0x1b: {  	s9 =	sadd.s32 $0xFFFFFEF7, lr;
	s5 =	simm.s32 $0xFFFFFFFF;
	p2 =	slt.u32 s8, $0xFFFFF086  }
0x1c: {  	p1 =	slt.u32 s9, $0xF7A;
	s5 =	simm.s32 @!p2 $0x0  }
0x1d: {  	s5 =	simm.s32 @p1 $0x1;
	p0 =	seq.s32 s7, s2  }
0x1e: {  	s7 =	smul.u32 @!p0 $0xF7A, s2;
	p2 =	seq.s32 @!p0 s5, $0x0  }
0x1f: {  	s9 =	smul.u32 $0xF7A, s1;
	s8 =	simm.s32 @!p0 $0x1BF5;
	p2 =	por !p2, p0  }
0x20: {  	[sflag:s8] =	ssyncset.s32 @!p0 $0xFFFFF086;
	s6 =	sadd.s32 @!p0 s3, s7;
	s7 =	simm.s32 @!p0 $0x108  }
0x21: {  	s3 =	sadd.s32 s3, s9;
	s6 =	sadd.s32 @!p0 $0x88, s6;
	s7 =	simm.s32 @p2 $0x1082  }
0x22: {  	[simem:s7], [sflag:s8] =	dma.local @!p0 [hbm:s6], $0xF7A  }
0x23: {  	s9 =	sor.u32 $0xD0000000, s2;
	s6 =	simm.s32 $0x108;
	_ =	swait.ge @!p0 [sflag:s8], $0x0  }
0x24: {  	s3 =	sadd.s32 $0x88, s3;
	s6 =	simm.s32 @!p1 $0x1082;
	[sflag:s4] =	ssyncset.s32 $0xFFFFF086  }
0x25: {  	[simem:s6], [sflag:s4] =	dma.local [hbm:s3], $0xF7A  }
0x26: {  	[smem:$0x3F9F] =	sst s1;
	(tag) =	ssettag s2;
	_ =	strace s9  }
0x27: {  	s1 =	sld [smem:$0x3FAF]  }
0x28: {  	s2 =	sld [smem:$0x3FB0]  }
0x29: {  	s4 =	sld [smem:$0x3FB2]  }
0x2a: {  	p0 =	seq.s32 s5, $0x0;
	s5 =	sld [smem:$0x3FB3]  }
0x2b: {  	s6 =	sld [smem:$0x3FB4]  }
0x2c: {  	s7 =	sld [smem:$0x3FB5]  }
0x2d: {  	s3 =	simm.s32 $0x108;
	s8 =	sld [smem:$0x3FB6]  }
0x2e: {  	s3 =	simm.s32 @!p0 $0x1082;
	s9 =	sld [smem:$0x3FB7]  }
0x2f: {  	lr =	sadd.s32 s0, s3;
	s0 =	sld [smem:$0x3FAE]  }
0x30: {  	s3 =	sld [smem:$0x3FB1]  }
0x31: {  	[smem:$0x3FBA] =	sst s10  }
0x32: {  	s10 =	sld [smem:$0x3FB8];
	_ =	sdelay $0x3  }
0x33: {  	p0 =	seq.s32 s10, $0x1;
	s10 =	sld [smem:$0x3FBA];
	_ =	sdelay $0x3  }
0x34: {  	[smem:$0x3FBA] =	sst s10  }
0x35: {  	s10 =	sld [smem:$0x3FB9];
	_ =	sdelay $0x3  }
0x36: {  	p1 =	seq.s32 s10, $0x1;
	s10 =	sld [smem:$0x3FBA];
	_ =	sdelay $0x3  }
0x37: {  	[smem:$0x3FBA] =	sst s10  }
0x38: {  	s10 =	sld [smem:$0x3FBB]  }
0x39: {  	_ = 	snop;
	(pc) =	sbr.ind lr, $3  }
0x3a: {  	_ = 	snop  }
0x3b: {  	_ = 	snop  }
0x3c: {  	p2 =	seq.s32 s10, $0x1;
	s10 =	sld [smem:$0x3FBA]  }
0x3d: {  	_ =	shalt  }
0x3e: {  	_ =	shalt  }
0x3f: {  	_ =	shalt  }
0x40: {  	_ =	shalt  }
0x41: {  	_ =	shalt  }
0x42: {  	_ =	shalt  }
0x43: {  	_ =	shalt  }
0x44: {  	_ =	shalt  }
0x45: {  	_ =	shalt  }
0x46: {  	_ =	shalt  }
0x47: {  	_ =	shalt  }
0x48: {  	_ =	shalt  }
0x49: {  	_ =	shalt  }
0x4a: {  	_ =	shalt  }
0x4b: {  	_ =	shalt  }
0x4c: {  	_ =	shalt  }
0x4d: {  	_ =	shalt  }
0x4e: {  	_ =	shalt  }
0x4f: {  	_ =	shalt  }
0x50: {  	_ =	shalt  }
0x51: {  	_ =	shalt  }
0x52: {  	_ =	shalt  }
0x53: {  	_ =	shalt  }
0x54: {  	_ =	shalt  }
0x55: {  	_ =	shalt  }
0x56: {  	_ =	shalt  }
0x57: {  	_ =	shalt  }
0x58: {  	_ =	shalt  }
0x59: {  	_ =	shalt  }
0x5a: {  	_ =	shalt  }
0x5b: {  	_ =	shalt  }
0x5c: {  	_ =	shalt  }
0x5d: {  	_ =	shalt  }
0x5e: {  	_ =	shalt  }
0x5f: {  	_ =	shalt  }
0x60: {  	_ =	shalt  }
0x61: {  	_ =	shalt  }
0x62: {  	_ =	shalt  }
0x63: {  	_ =	shalt  }
0x64: {  	_ =	shalt  }
0x65: {  	_ =	shalt  }
0x66: {  	_ =	shalt  }
0x67: {  	_ =	shalt  }
0x68: {  	_ =	shalt  }
0x69: {  	_ =	shalt  }
0x6a: {  	_ =	shalt  }
0x6b: {  	_ =	shalt  }
0x6c: {  	_ =	shalt  }
0x6d: {  	_ =	shalt  }
0x6e: {  	_ =	shalt  }
0x6f: {  	_ =	shalt  }
0x70: {  	_ =	shalt  }
0x71: {  	_ =	shalt  }
0x72: {  	_ =	shalt  }
0x73: {  	_ =	shalt  }
0x74: {  	_ =	shalt  }
0x75: {  	_ =	shalt  }
0x76: {  	_ =	shalt  }
0x77: {  	_ =	shalt  }
0x78: {  	_ =	shalt  }
0x79: {  	_ =	shalt  }
0x7a: {  	_ =	shalt  }
0x7b: {  	_ =	shalt  }
0x7c: {  	_ =	shalt  }
0x7d: {  	_ =	shalt  }
0x7e: {  	_ =	shalt  }
0x7f: {  	_ =	shalt  }
0x80: {  	_ =	shalt  }
0x81: {  	_ =	shalt  }
0x82: {  	_ =	shalt  }
0x83: {  	_ =	shalt  }
0x84: {  	_ =	shalt  }
0x85: {  	_ =	shalt  }
0x86: {  	_ =	shalt  }
0x87: {  	_ =	shalt  }
.Lfunc_end0:
.L_simem_size_0:
called_computation_lowered:
.L_overlay_start_0:
0x88: {  	s2 =	sld [smem:$0x3FD9]  }
0x89: {  	s3 =	sld [smem:$0x3FFE];
	_ =	sdelay $0x1  }
0x8a: {  	s1 =	srdreg.scid  }
0x8b: {  	s0 =	sand.u32 $0x1, s1  }
0x8c: {  	s18 =	sshll.u32 s0, $0xA;
	s2 =	sadd.s32 s3, s2  }
0x8d: {  	s2 =	sadd.s32 s2, s18  }
0x8e: {  	[smem:$0x3FC6] =	sst s2  }
0x8f: {  	_ = 	snop  }
0x90: {  	s2 =	sld [smem:$0x3FC9]  }
0x91: {  	s19 =	sld [smem:$0x3FC8]  }
0x92: {  	s4 =	sld [smem:$0x3FD0];
	(tm) =	ssettm $0x1  }
0x93: {  	s5 =	sld [smem:$0x3FFB];
	_ =	sdelay $0x3  }
0x94: {  	_ =	strace s5  }
0x95: {  	s5 =	sld [smem:$0x3FFC];
	_ =	sdelay $0x3  }
0x96: {  	_ =	strace s5  }
0x97: {  	s5 =	sld [smem:$0x3FFD];
	_ =	sdelay $0x3  }
0x98: {  	_ =	strace s5  }
0x99: {  	_ =	strace $0x8FFFFFFF  }
0x9a: {  	s20 =	sld [smem:$0x3FDB];
	_ =	sdelay $0x1  }
0x9b: {  	s6 =	simm.s32 $_scs_section_size  }
0x9c: {  	s7 =	simm.s32 $_size__tile_overlayer_lowered;
	s8 =	simm.s32 $_tile_overlayer_lowered  }
0x9d: {  	s23 =	simm.s32 $0x1BFF;
	s22 =	sshll.u32 s8, $0x1;
	s5 =	sadd.s32 s6, s20  }
0x9e: {  	s9 =	simm.s32 $0x0;
	s21 =	sshll.u32 s7, $0x1;
	s7 =	sadd.s32 s22, s5  }
0x9f: {  	[timem:s9], [sflag:s23] =	dma.local [hbm:s7], s21  }
0xa0: {  	_ =	swait.ge [sflag:s23], s21  }
0xa1: {  	s6 =	ssub.s32 $0x0, s21;
	[sflag:s23] =	ssyncset.done $0x0  }
0xa2: {  	[sflag:s23] =	ssyncadd.s32 s6;
	_ =	sdelay $0x1  }
0xa3: {  	s24 =	simm.s32 $0x1B8B  }
0xa4: {  	_ =	swait.ge [sflag:s24], $0x1  }
0xa5: {  	[sflag:s24] =	ssyncset.done $0x0  }
0xa6: {  	s25 =	simm.s32 $0x1B8E;
	[sflag:s24] =	ssyncadd.s32 $0xFFFFFFFF  }
0xa7: {  	s26 =	simm.s32 $execute0_lowered;
	[smem:$0x3FD2] =	sst s25  }
0xa8: {  	s6 =	sshll.u32 s26, $0x1;
	_ =	strace $0x80000046;
	[dreg:$0x1] =	wrdreg $0xFFFFFFFF  }
0xa9: {  	s28 =	simm.s32 $_size_execute0_lowered;
	s5 =	sadd.s32 s5, s6;
	[dreg:$0x0] =	wrdreg $0x0  }
0xaa: {  	s6 =	sshll.u32 s28, $0x1;
	[dreg:$0x2] =	wrdreg s5  }
0xab: {  	[dreg:$0x3] =	wrdreg s6  }
0xac: {  	[dreg:$0x4] =	wrdreg $0xC0  }
0xad: {  	_ =	task [dreg:s9], $0x5FFFF  }
0xae: {  	[dreg:$0x1] =	wrdreg $0xFFFFFFFF  }
0xaf: {  	[dreg:$0x0] =	wrdreg $0x60  }
0xb0: {  	[dreg:$0x2] =	wrdreg s2  }
0xb1: {  	[dreg:$0x3] =	wrdreg s19  }
0xb2: {  	[dreg:$0x4] =	wrdreg s4  }
0xb3: {  	[dreg:$0x5] =	wrdreg $0x9  }
0xb4: {  	_ =	task.clear_ibuf [dreg:s9], $0x6FFFF;
	_ =	strace $0x90000046  }
0xb5: {  	s29 =	simm.s32 $0x9;
	_ =	strace $0x80000048  }
0xb6: {  	_ =	swait.ge [sflag:s29], $0x1  }
0xb7: {  	[sflag:s29] =	ssyncadd.s32 $0xFFFFFFFF  }
0xb8: {  	_ =	strace $0x90000048  }
0xb9: {  	_ =	sfence  }
0xba: {  	s30 =	sld [smem:$0x0];
	_ =	sdelay $0x2  }
0xbb: {  	s31 =	sshll.u32 s1, $0xD;
	s1 =	sshrl.u32 s1, $0x2  }
0xbc: {  	s3 =	sand.u32 $0x4000, s31;
	s1 =	sadd.s32 s1, s30  }
0xbd: {  	s0 =	sor.u32 s3, s0;
	s1 =	sshll.u32 s1, $0x11  }
0xbe: {  	s0 =	sor.u32 s1, s0  }
0xbf: {  	s0 =	sadd.s32 $0x8F2B, s0  }
0xc0: {  	[sflag:s0] =	ssyncadd.remote.s32 $0x1  }
0xc1: {  	_ =	sfence.sel $0xFFFF  }
0xc2: {  	[dreg:$0x0] =	wrdreg $0xFFFFFFFF;
	(pc) =	sbr.abs _section_cstart, $3  }
0xc3: {  	[dreg:$0x1] =	wrdreg $0xFFFFFFFF  }
0xc4: {  	_ =	task.clear_ibuf [dreg:s9], $0x2FFFF;
	_ =	strace $0x9FFFFFFF  }
0xc5: {  	(tm) =	ssettm $0x7FFFFFFF  }
tec
execute0_lowered:
.L_overlay_start_1:
0x0: {  	(tag) =	ssettag $0x1  }
0x1: {  	s5 =	rddreg [dreg:$0x0]  }
0x2: {  	s2 =	rddreg [dreg:$0x1];
	s1 =	srdreg.scid  }
0x3: {  	s0 =	stileid.u32;
	s19 =	rddreg [dreg:$0x2];
	s3 =	simm.s32 $0x0  }
0x4: {  	s24 =	simm.s32 $0x2;
	s25 =	simm.s32 $0x1;
	s26 =	simm.s32 $0x0  }
0x5: {  	s15 =	sand.u32 $0x1, s1;
	s4 =	sshll.u32 s0, $0x1;
	[smem:$0x7FF] =	sst s3  }
0x6: {  	s6 =	sshll.u32 s0, $0xB;
	s17 =	sshll.u32 s0, $0x12;
	s4 =	sor.u32 s15, s4  }
0x7: {  	_ =	strace $0x80000047;
	s8 =	ssub.s32 $0x2, s15;
	s18 =	sshll.u32 s15, $0x11  }
0x8: {  	s7 =	sshll.u32 s4, $0x7;
	s31 =	sshrl.u32 s8, $0x1;
	s4 =	sshll.u32 s4, $0x11  }
0x9: {  	s20 =	sor.u32 s18, s17;
	s6 =	sor.u32 s7, s6;
	s21 =	ssub.s32 s8, s31  }
0xa: {  	s4 =	sadd.s32 s19, s4;
	s22 =	sadd.s32 s20, s19;
	s6 =	sand.u32 $0x6380, s6  }
0xb: {  	s7 =	sadd.s32 $0x20, s4;
	s8 =	sadd.s32 $0x30, s4;
	s9 =	sadd.s32 $0x40, s4  }
0xc: {  	s10 =	sadd.s32 $0x50, s4;
	s11 =	sadd.s32 $0x60, s4;
	s12 =	sadd.s32 $0x70, s4  }
0xd: {  	s13 =	sadd.s32 $0x400, s4;
	s14 =	sadd.s32 $0x410, s4;
	s15 =	sadd.s32 $0x420, s4  }
0xe: {  	s16 =	sadd.s32 $0x430, s4;
	s17 =	sadd.s32 $0x440, s4;
	s18 =	sadd.s32 $0x450, s4  }
0xf: {  	s19 =	sadd.s32 $0x460, s4;
	s20 =	sadd.s32 $0x470, s4;
	s23 =	sadd.s32 $0xC00, s22  }
0x10: {  	s21 =	smax.u32 s21, $0x1;
	s22 =	sadd.s32 $0x800, s22;
	[dreg:$0x5] =	wrdreg s23  }
0x11: {  	s6 =	sshrl.u32 s6, $0x3;
	[dreg:$0x4] =	wrdreg s22;
	s22 =	simm.s32 $0x80  }
0x12: {  	s23 =	simm.s32 $0x400;
	s5 =	sadd.s32 s5, s6;
	s6 =	sadd.s32 $0x10, s4  }
.LBB2_1:
0x13: {  	[tilespmem:s3], [sflag:$0x2] =	stream.strided.gather [hbm4b:s5+s22], $0x400, s23, s22, $0x38;
	[tilespmem:$0x8400] =	vst v63  }
0x14: {  	_ =	swait.ge [sflag:s24], $0x400  }
0x15: {  	[sflag:s24] =	ssyncset.done $0x0  }
0x16: {  	[sflag:s24] =	ssyncadd.s32 $0xFFFFFC00  }
0x17: {  	[tilespmem:s23], [sflag:$0x2] =	stream.linear.gather [hbm4b:s2+s3], $0x8000, $0x38;
	[tilespmem:$0x8400] =	vst v63  }
0x18: {  	_ =	swait.ge [sflag:s24], $0x8000  }
0x19: {  	[sflag:s24] =	ssyncset.done $0x0  }
0x1a: {  	[sflag:s24] =	ssyncadd.s32 $0xFFFF8000  }
0x1b: {  	v0 =	vld [tilespmem:$0x0];
	_ =	sdelay $0x4  }
0x1c: {  	(v2sf) =	vpush v0, $0x0;
	_ =	sdelay $0xe  }
0x1d: {  	s28 =	spop (v2sf)  }
0x1e: {  	s29 =	sshll.u32 s28, $0xA;
	s28 =	sshll.u32 s28, $0x7  }
0x1f: {  	s29 =	sand.u32 $0xFFFFE000, s29;
	s28 =	sand.u32 $0x380, s28  }
0x20: {  	s28 =	sor.u32 s28, s29  }
0x21: {  	s29 =	sor.u32 $0x400, s28  }
0x22: {  	(v2sf) =	vpush v0, $0x1;
	[hbm4b:s4+s3] =	stream.linear.scatter [tilespmem:s29], [sflag:$0x1], $0x80, $0x38;
	[tilespmem:$0x8400] =	vst v63  }
0x23: {  	s30 =	sadd.s32 $0x80, s4;
	s29 =	sor.u32 $0x800, s28  }
0x24: {  	[hbm4b:s30+s3] =	stream.linear.scatter [tilespmem:s29], [sflag:$0x1], $0x80, $0x38;
	[tilespmem:$0x8400] =	vst v63  }
0x25: {  	s1 =	sadd.s32 $0x100, s4;
	s29 =	sor.u32 $0xC00, s28  }
0x26: {  	[hbm4b:s1+s3] =	stream.linear.scatter [tilespmem:s29], [sflag:$0x1], $0x80, $0x38;
	[tilespmem:$0x8400] =	vst v63  }
0x27: {  	s31 =	sadd.s32 $0x180, s4;
	s29 =	sor.u32 $0x1000, s28  }
0x28: {  	[hbm4b:s31+s3] =	stream.linear.scatter [tilespmem:s29], [sflag:$0x1], $0x80, $0x38;
	[tilespmem:$0x8400] =	vst v63  }
0x29: {  	s0 =	sadd.s32 $0x200, s4;
	s29 =	sor.u32 $0x1400, s28  }
0x2a: {  	[hbm4b:s0+s3] =	stream.linear.scatter [tilespmem:s29], [sflag:$0x1], $0x80, $0x38;
	[tilespmem:$0x8400] =	vst v63  }
0x2b: {  	s1 =	sadd.s32 $0x280, s4;
	s29 =	sor.u32 $0x1800, s28  }
0x2c: {  	[hbm4b:s1+s3] =	stream.linear.scatter [tilespmem:s29], [sflag:$0x1], $0x80, $0x38;
	[tilespmem:$0x8400] =	vst v63  }
0x2d: {  	s31 =	sadd.s32 $0x300, s4;
	s29 =	sor.u32 $0x1C00, s28  }
0x2e: {  	[hbm4b:s31+s3] =	stream.linear.scatter [tilespmem:s29], [sflag:$0x1], $0x80, $0x38;
	[tilespmem:$0x8400] =	vst v63  }
0x2f: {  	s28 =	sadd.s32 $0x2000, s28;
	s29 =	sadd.s32 $0x380, s4  }
0x30: {  	[hbm4b:s29+s3] =	stream.linear.scatter [tilespmem:s28], [sflag:$0x1], $0x80, $0x38;
	[tilespmem:$0x8400] =	vst v63  }
0x31: {  	s28 =	spop (v2sf)  }
0x32: {  	s29 =	sshll.u32 s28, $0xA;
	s28 =	sshll.u32 s28, $0x7  }
0x33: {  	s29 =	sand.u32 $0xFFFFE000, s29;
	s28 =	sand.u32 $0x380, s28  }
0x34: {  	s28 =	sor.u32 s28, s29  }
0x35: {  	s29 =	sor.u32 $0x400, s28  }
0x36: {  	(v2sf) =	vpush v0, $0x2;
	[hbm4b:s6+s3] =	stream.linear.scatter [tilespmem:s29], [sflag:$0x1], $0x80, $0x38;
	[tilespmem:$0x8400] =	vst v63  }
0x37: {  	s0 =	sadd.s32 $0x80, s6;
	s29 =	sor.u32 $0x800, s28  }
0x38: {  	[hbm4b:s0+s3] =	stream.linear.scatter [tilespmem:s29], [sflag:$0x1], $0x80, $0x38;
	[tilespmem:$0x8400] =	vst v63  }
0x39: {  	s1 =	sadd.s32 $0x100, s6;
	s29 =	sor.u32 $0xC00, s28  }
0x3a: {  	[hbm4b:s1+s3] =	stream.linear.scatter [tilespmem:s29], [sflag:$0x1], $0x80, $0x38;
	[tilespmem:$0x8400] =	vst v63  }
0x3b: {  	s31 =	sadd.s32 $0x180, s6;
	s29 =	sor.u32 $0x1000, s28  }
0x3c: {  	[hbm4b:s31+s3] =	stream.linear.scatter [tilespmem:s29], [sflag:$0x1], $0x80, $0x38;
	[tilespmem:$0x8400] =	vst v63  }
0x3d: {  	s0 =	sadd.s32 $0x200, s6;
	s29 =	sor.u32 $0x1400, s28  }
0x3e: {  	[hbm4b:s0+s3] =	stream.linear.scatter [tilespmem:s29], [sflag:$0x1], $0x80, $0x38;
	[tilespmem:$0x8400] =	vst v63  }
0x3f: {  	s1 =	sadd.s32 $0x280, s6;
	s29 =	sor.u32 $0x1800, s28  }
0x40: {  	[hbm4b:s1+s3] =	stream.linear.scatter [tilespmem:s29], [sflag:$0x1], $0x80, $0x38;
	[tilespmem:$0x8400] =	vst v63  }
0x41: {  	s31 =	sadd.s32 $0x300, s6;
	s29 =	sor.u32 $0x1C00, s28  }
0x42: {  	[hbm4b:s31+s3] =	stream.linear.scatter [tilespmem:s29], [sflag:$0x1], $0x80, $0x38;
	[tilespmem:$0x8400] =	vst v63  }
0x43: {  	s28 =	sadd.s32 $0x2000, s28;
	s29 =	sadd.s32 $0x380, s6  }
0x44: {  	[hbm4b:s29+s3] =	stream.linear.scatter [tilespmem:s28], [sflag:$0x1], $0x80, $0x38;
	[tilespmem:$0x8400] =	vst v63  }
0x45: {  	s28 =	spop (v2sf)  }
0x46: {  	s29 =	sshll.u32 s28, $0xA;
	s28 =	sshll.u32 s28, $0x7  }
0x47: {  	s29 =	sand.u32 $0xFFFFE000, s29;
	s28 =	sand.u32 $0x380, s28  }
0x48: {  	s28 =	sor.u32 s28, s29  }
0x49: {  	s29 =	sor.u32 $0x400, s28  }
0x4a: {  	(v2sf) =	vpush v0, $0x3;
	[hbm4b:s7+s3] =	stream.linear.scatter [tilespmem:s29], [sflag:$0x1], $0x80, $0x38;
	[tilespmem:$0x8400] =	vst v63  }
0x4b: {  	s0 =	sadd.s32 $0x80, s7;
	s29 =	sor.u32 $0x800, s28  }
0x4c: {  	[hbm4b:s0+s3] =	stream.linear.scatter [tilespmem:s29], [sflag:$0x1], $0x80, $0x38;
	[tilespmem:$0x8400] =	vst v63  }
0x4d: {  	s1 =	sadd.s32 $0x100, s7;
	s29 =	sor.u32 $0xC00, s28  }
0x4e: {  	[hbm4b:s1+s3] =	stream.linear.scatter [tilespmem:s29], [sflag:$0x1], $0x80, $0x38;
	[tilespmem:$0x8400] =	vst v63  }
0x4f: {  	s31 =	sadd.s32 $0x180, s7;
	s29 =	sor.u32 $0x1000, s28  }
0x50: {  	[hbm4b:s31+s3] =	stream.linear.scatter [tilespmem:s29], [sflag:$0x1], $0x80, $0x38;
	[tilespmem:$0x8400] =	vst v63  }
0x51: {  	s0 =	sadd.s32 $0x200, s7;
	s29 =	sor.u32 $0x1400, s28  }
0x52: {  	[hbm4b:s0+s3] =	stream.linear.scatter [tilespmem:s29], [sflag:$0x1], $0x80, $0x38;
	[tilespmem:$0x8400] =	vst v63  }
0x53: {  	s1 =	sadd.s32 $0x280, s7;
	s29 =	sor.u32 $0x1800, s28  }
0x54: {  	[hbm4b:s1+s3] =	stream.linear.scatter [tilespmem:s29], [sflag:$0x1], $0x80, $0x38;
	[tilespmem:$0x8400] =	vst v63  }
0x55: {  	s31 =	sadd.s32 $0x300, s7;
	s29 =	sor.u32 $0x1C00, s28  }
0x56: {  	[hbm4b:s31+s3] =	stream.linear.scatter [tilespmem:s29], [sflag:$0x1], $0x80, $0x38;
	[tilespmem:$0x8400] =	vst v63  }
0x57: {  	s28 =	sadd.s32 $0x2000, s28;
	s29 =	sadd.s32 $0x380, s7  }
0x58: {  	[hbm4b:s29+s3] =	stream.linear.scatter [tilespmem:s28], [sflag:$0x1], $0x80, $0x38;
	[tilespmem:$0x8400] =	vst v63  }
0x59: {  	s28 =	spop (v2sf)  }
0x5a: {  	s29 =	sshll.u32 s28, $0xA;
	s28 =	sshll.u32 s28, $0x7  }
0x5b: {  	s29 =	sand.u32 $0xFFFFE000, s29;
	s28 =	sand.u32 $0x380, s28  }
0x5c: {  	s28 =	sor.u32 s28, s29  }
0x5d: {  	s29 =	sor.u32 $0x400, s28  }
0x5e: {  	(v2sf) =	vpush v0, $0x4;
	[hbm4b:s8+s3] =	stream.linear.scatter [tilespmem:s29], [sflag:$0x1], $0x80, $0x38;
	[tilespmem:$0x8400] =	vst v63  }
0x5f: {  	s0 =	sadd.s32 $0x80, s8;
	s29 =	sor.u32 $0x800, s28  }
0x60: {  	[hbm4b:s0+s3] =	stream.linear.scatter [tilespmem:s29], [sflag:$0x1], $0x80, $0x38;
	[tilespmem:$0x8400] =	vst v63  }
0x61: {  	s1 =	sadd.s32 $0x100, s8;
	s29 =	sor.u32 $0xC00, s28  }
0x62: {  	[hbm4b:s1+s3] =	stream.linear.scatter [tilespmem:s29], [sflag:$0x1], $0x80, $0x38;
	[tilespmem:$0x8400] =	vst v63  }
0x63: {  	s31 =	sadd.s32 $0x180, s8;
	s29 =	sor.u32 $0x1000, s28  }
0x64: {  	[hbm4b:s31+s3] =	stream.linear.scatter [tilespmem:s29], [sflag:$0x1], $0x80, $0x38;
	[tilespmem:$0x8400] =	vst v63  }
0x65: {  	s0 =	sadd.s32 $0x200, s8;
	s29 =	sor.u32 $0x1400, s28  }
0x66: {  	[hbm4b:s0+s3] =	stream.linear.scatter [tilespmem:s29], [sflag:$0x1], $0x80, $0x38;
	[tilespmem:$0x8400] =	vst v63  }
0x67: {  	s1 =	sadd.s32 $0x280, s8;
	s29 =	sor.u32 $0x1800, s28  }
0x68: {  	[hbm4b:s1+s3] =	stream.linear.scatter [tilespmem:s29], [sflag:$0x1], $0x80, $0x38;
	[tilespmem:$0x8400] =	vst v63  }
0x69: {  	s31 =	sadd.s32 $0x300, s8;
	s29 =	sor.u32 $0x1C00, s28  }
0x6a: {  	[hbm4b:s31+s3] =	stream.linear.scatter [tilespmem:s29], [sflag:$0x1], $0x80, $0x38;
	[tilespmem:$0x8400] =	vst v63  }
0x6b: {  	s28 =	sadd.s32 $0x2000, s28;
	s29 =	sadd.s32 $0x380, s8  }
0x6c: {  	[hbm4b:s29+s3] =	stream.linear.scatter [tilespmem:s28], [sflag:$0x1], $0x80, $0x38;
	[tilespmem:$0x8400] =	vst v63  }
0x6d: {  	s28 =	spop (v2sf)  }
0x6e: {  	s29 =	sshll.u32 s28, $0xA;
	s28 =	sshll.u32 s28, $0x7  }
0x6f: {  	s29 =	sand.u32 $0xFFFFE000, s29;
	s28 =	sand.u32 $0x380, s28  }
0x70: {  	s28 =	sor.u32 s28, s29  }
0x71: {  	s29 =	sor.u32 $0x400, s28  }
0x72: {  	(v2sf) =	vpush v0, $0x5;
	[hbm4b:s9+s3] =	stream.linear.scatter [tilespmem:s29], [sflag:$0x1], $0x80, $0x38;
	[tilespmem:$0x8400] =	vst v63  }
0x73: {  	s0 =	sadd.s32 $0x80, s9;
	s29 =	sor.u32 $0x800, s28  }
0x74: {  	[hbm4b:s0+s3] =	stream.linear.scatter [tilespmem:s29], [sflag:$0x1], $0x80, $0x38;
	[tilespmem:$0x8400] =	vst v63  }
0x75: {  	s1 =	sadd.s32 $0x100, s9;
	s29 =	sor.u32 $0xC00, s28  }
0x76: {  	[hbm4b:s1+s3] =	stream.linear.scatter [tilespmem:s29], [sflag:$0x1], $0x80, $0x38;
	[tilespmem:$0x8400] =	vst v63  }
0x77: {  	s31 =	sadd.s32 $0x180, s9;
	s29 =	sor.u32 $0x1000, s28  }
0x78: {  	[hbm4b:s31+s3] =	stream.linear.scatter [tilespmem:s29], [sflag:$0x1], $0x80, $0x38;
	[tilespmem:$0x8400] =	vst v63  }
0x79: {  	s0 =	sadd.s32 $0x200, s9;
	s29 =	sor.u32 $0x1400, s28  }
0x7a: {  	[hbm4b:s0+s3] =	stream.linear.scatter [tilespmem:s29], [sflag:$0x1], $0x80, $0x38;
	[tilespmem:$0x8400] =	vst v63  }
0x7b: {  	s1 =	sadd.s32 $0x280, s9;
	s29 =	sor.u32 $0x1800, s28  }
0x7c: {  	[hbm4b:s1+s3] =	stream.linear.scatter [tilespmem:s29], [sflag:$0x1], $0x80, $0x38;
	[tilespmem:$0x8400] =	vst v63  }
0x7d: {  	s31 =	sadd.s32 $0x300, s9;
	s29 =	sor.u32 $0x1C00, s28  }
0x7e: {  	[hbm4b:s31+s3] =	stream.linear.scatter [tilespmem:s29], [sflag:$0x1], $0x80, $0x38;
	[tilespmem:$0x8400] =	vst v63  }
0x7f: {  	s28 =	sadd.s32 $0x2000, s28;
	s29 =	sadd.s32 $0x380, s9  }
0x80: {  	[hbm4b:s29+s3] =	stream.linear.scatter [tilespmem:s28], [sflag:$0x1], $0x80, $0x38;
	[tilespmem:$0x8400] =	vst v63  }
0x81: {  	s28 =	spop (v2sf)  }
0x82: {  	s29 =	sshll.u32 s28, $0xA;
	s28 =	sshll.u32 s28, $0x7  }
0x83: {  	s29 =	sand.u32 $0xFFFFE000, s29;
	s28 =	sand.u32 $0x380, s28  }
0x84: {  	s28 =	sor.u32 s28, s29  }
0x85: {  	s29 =	sor.u32 $0x400, s28  }
0x86: {  	(v2sf) =	vpush v0, $0x6;
	[hbm4b:s10+s3] =	stream.linear.scatter [tilespmem:s29], [sflag:$0x1], $0x80, $0x38;
	[tilespmem:$0x8400] =	vst v63  }
0x87: {  	s0 =	sadd.s32 $0x80, s10;
	s29 =	sor.u32 $0x800, s28  }
0x88: {  	[hbm4b:s0+s3] =	stream.linear.scatter [tilespmem:s29], [sflag:$0x1], $0x80, $0x38;
	[tilespmem:$0x8400] =	vst v63  }
0x89: {  	s1 =	sadd.s32 $0x100, s10;
	s29 =	sor.u32 $0xC00, s28  }
0x8a: {  	[hbm4b:s1+s3] =	stream.linear.scatter [tilespmem:s29], [sflag:$0x1], $0x80, $0x38;
	[tilespmem:$0x8400] =	vst v63  }
0x8b: {  	s31 =	sadd.s32 $0x180, s10;
	s29 =	sor.u32 $0x1000, s28  }
0x8c: {  	[hbm4b:s31+s3] =	stream.linear.scatter [tilespmem:s29], [sflag:$0x1], $0x80, $0x38;
	[tilespmem:$0x8400] =	vst v63  }
0x8d: {  	s0 =	sadd.s32 $0x200, s10;
	s29 =	sor.u32 $0x1400, s28  }
0x8e: {  	[hbm4b:s0+s3] =	stream.linear.scatter [tilespmem:s29], [sflag:$0x1], $0x80, $0x38;
	[tilespmem:$0x8400] =	vst v63  }
0x8f: {  	s1 =	sadd.s32 $0x280, s10;
	s29 =	sor.u32 $0x1800, s28  }
0x90: {  	[hbm4b:s1+s3] =	stream.linear.scatter [tilespmem:s29], [sflag:$0x1], $0x80, $0x38;
	[tilespmem:$0x8400] =	vst v63  }
0x91: {  	s31 =	sadd.s32 $0x300, s10;
	s29 =	sor.u32 $0x1C00, s28  }
0x92: {  	[hbm4b:s31+s3] =	stream.linear.scatter [tilespmem:s29], [sflag:$0x1], $0x80, $0x38;
	[tilespmem:$0x8400] =	vst v63  }
0x93: {  	s28 =	sadd.s32 $0x2000, s28;
	s29 =	sadd.s32 $0x380, s10  }
0x94: {  	[hbm4b:s29+s3] =	stream.linear.scatter [tilespmem:s28], [sflag:$0x1], $0x80, $0x38;
	[tilespmem:$0x8400] =	vst v63  }
0x95: {  	s28 =	spop (v2sf)  }
0x96: {  	s29 =	sshll.u32 s28, $0xA;
	s28 =	sshll.u32 s28, $0x7  }
0x97: {  	s29 =	sand.u32 $0xFFFFE000, s29;
	s28 =	sand.u32 $0x380, s28  }
0x98: {  	s28 =	sor.u32 s28, s29  }
0x99: {  	s29 =	sor.u32 $0x400, s28  }
0x9a: {  	(v2sf) =	vpush v0, $0x7;
	[hbm4b:s11+s3] =	stream.linear.scatter [tilespmem:s29], [sflag:$0x1], $0x80, $0x38;
	[tilespmem:$0x8400] =	vst v63  }
0x9b: {  	s0 =	sadd.s32 $0x80, s11;
	s29 =	sor.u32 $0x800, s28  }
0x9c: {  	[hbm4b:s0+s3] =	stream.linear.scatter [tilespmem:s29], [sflag:$0x1], $0x80, $0x38;
	[tilespmem:$0x8400] =	vst v63  }
0x9d: {  	s1 =	sadd.s32 $0x100, s11;
	s29 =	sor.u32 $0xC00, s28  }
0x9e: {  	[hbm4b:s1+s3] =	stream.linear.scatter [tilespmem:s29], [sflag:$0x1], $0x80, $0x38;
	[tilespmem:$0x8400] =	vst v63  }
0x9f: {  	s31 =	sadd.s32 $0x180, s11;
	s29 =	sor.u32 $0x1000, s28  }
0xa0: {  	[hbm4b:s31+s3] =	stream.linear.scatter [tilespmem:s29], [sflag:$0x1], $0x80, $0x38;
	[tilespmem:$0x8400] =	vst v63  }
0xa1: {  	s0 =	sadd.s32 $0x200, s11;
	s29 =	sor.u32 $0x1400, s28  }
0xa2: {  	[hbm4b:s0+s3] =	stream.linear.scatter [tilespmem:s29], [sflag:$0x1], $0x80, $0x38;
	[tilespmem:$0x8400] =	vst v63  }
0xa3: {  	s1 =	sadd.s32 $0x280, s11;
	s29 =	sor.u32 $0x1800, s28  }
0xa4: {  	[hbm4b:s1+s3] =	stream.linear.scatter [tilespmem:s29], [sflag:$0x1], $0x80, $0x38;
	[tilespmem:$0x8400] =	vst v63  }
0xa5: {  	s31 =	sadd.s32 $0x300, s11;
	s29 =	sor.u32 $0x1C00, s28  }
0xa6: {  	[hbm4b:s31+s3] =	stream.linear.scatter [tilespmem:s29], [sflag:$0x1], $0x80, $0x38;
	[tilespmem:$0x8400] =	vst v63  }
0xa7: {  	s28 =	sadd.s32 $0x2000, s28;
	s29 =	sadd.s32 $0x380, s11  }
0xa8: {  	[hbm4b:s29+s3] =	stream.linear.scatter [tilespmem:s28], [sflag:$0x1], $0x80, $0x38;
	[tilespmem:$0x8400] =	vst v63  }
0xa9: {  	s28 =	spop (v2sf)  }
0xaa: {  	s29 =	sshll.u32 s28, $0xA;
	s28 =	sshll.u32 s28, $0x7  }
0xab: {  	s29 =	sand.u32 $0xFFFFE000, s29;
	s28 =	sand.u32 $0x380, s28  }
0xac: {  	s28 =	sor.u32 s28, s29  }
0xad: {  	s29 =	sor.u32 $0x400, s28  }
0xae: {  	(v2sf) =	vpush v0, $0x8;
	[hbm4b:s12+s3] =	stream.linear.scatter [tilespmem:s29], [sflag:$0x1], $0x80, $0x38;
	[tilespmem:$0x8400] =	vst v63  }
0xaf: {  	s0 =	sadd.s32 $0x80, s12;
	s29 =	sor.u32 $0x800, s28  }
0xb0: {  	[hbm4b:s0+s3] =	stream.linear.scatter [tilespmem:s29], [sflag:$0x1], $0x80, $0x38;
	[tilespmem:$0x8400] =	vst v63  }
0xb1: {  	s1 =	sadd.s32 $0x100, s12;
	s29 =	sor.u32 $0xC00, s28  }
0xb2: {  	[hbm4b:s1+s3] =	stream.linear.scatter [tilespmem:s29], [sflag:$0x1], $0x80, $0x38;
	[tilespmem:$0x8400] =	vst v63  }
0xb3: {  	s31 =	sadd.s32 $0x180, s12;
	s29 =	sor.u32 $0x1000, s28  }
0xb4: {  	[hbm4b:s31+s3] =	stream.linear.scatter [tilespmem:s29], [sflag:$0x1], $0x80, $0x38;
	[tilespmem:$0x8400] =	vst v63  }
0xb5: {  	s0 =	sadd.s32 $0x200, s12;
	s29 =	sor.u32 $0x1400, s28  }
0xb6: {  	[hbm4b:s0+s3] =	stream.linear.scatter [tilespmem:s29], [sflag:$0x1], $0x80, $0x38;
	[tilespmem:$0x8400] =	vst v63  }
0xb7: {  	s1 =	sadd.s32 $0x280, s12;
	s29 =	sor.u32 $0x1800, s28  }
0xb8: {  	[hbm4b:s1+s3] =	stream.linear.scatter [tilespmem:s29], [sflag:$0x1], $0x80, $0x38;
	[tilespmem:$0x8400] =	vst v63  }
0xb9: {  	s31 =	sadd.s32 $0x300, s12;
	s29 =	sor.u32 $0x1C00, s28  }
0xba: {  	[hbm4b:s31+s3] =	stream.linear.scatter [tilespmem:s29], [sflag:$0x1], $0x80, $0x38;
	[tilespmem:$0x8400] =	vst v63  }
0xbb: {  	s28 =	sadd.s32 $0x2000, s28;
	s29 =	sadd.s32 $0x380, s12  }
0xbc: {  	[hbm4b:s29+s3] =	stream.linear.scatter [tilespmem:s28], [sflag:$0x1], $0x80, $0x38;
	[tilespmem:$0x8400] =	vst v63  }
0xbd: {  	s28 =	spop (v2sf)  }
0xbe: {  	s29 =	sshll.u32 s28, $0xA;
	s28 =	sshll.u32 s28, $0x7  }
0xbf: {  	s29 =	sand.u32 $0xFFFFE000, s29;
	s28 =	sand.u32 $0x380, s28  }
0xc0: {  	s28 =	sor.u32 s28, s29  }
0xc1: {  	s29 =	sor.u32 $0x400, s28  }
0xc2: {  	(v2sf) =	vpush v0, $0x9;
	[hbm4b:s13+s3] =	stream.linear.scatter [tilespmem:s29], [sflag:$0x1], $0x80, $0x38;
	[tilespmem:$0x8400] =	vst v63  }
0xc3: {  	s0 =	sadd.s32 $0x80, s13;
	s29 =	sor.u32 $0x800, s28  }
0xc4: {  	[hbm4b:s0+s3] =	stream.linear.scatter [tilespmem:s29], [sflag:$0x1], $0x80, $0x38;
	[tilespmem:$0x8400] =	vst v63  }
0xc5: {  	s1 =	sadd.s32 $0x100, s13;
	s29 =	sor.u32 $0xC00, s28  }
0xc6: {  	[hbm4b:s1+s3] =	stream.linear.scatter [tilespmem:s29], [sflag:$0x1], $0x80, $0x38;
	[tilespmem:$0x8400] =	vst v63  }
0xc7: {  	s31 =	sadd.s32 $0x180, s13;
	s29 =	sor.u32 $0x1000, s28  }
0xc8: {  	[hbm4b:s31+s3] =	stream.linear.scatter [tilespmem:s29], [sflag:$0x1], $0x80, $0x38;
	[tilespmem:$0x8400] =	vst v63  }
0xc9: {  	s0 =	sadd.s32 $0x200, s13;
	s29 =	sor.u32 $0x1400, s28  }
0xca: {  	[hbm4b:s0+s3] =	stream.linear.scatter [tilespmem:s29], [sflag:$0x1], $0x80, $0x38;
	[tilespmem:$0x8400] =	vst v63  }
0xcb: {  	s1 =	sadd.s32 $0x280, s13;
	s29 =	sor.u32 $0x1800, s28  }
0xcc: {  	[hbm4b:s1+s3] =	stream.linear.scatter [tilespmem:s29], [sflag:$0x1], $0x80, $0x38;
	[tilespmem:$0x8400] =	vst v63  }
0xcd: {  	s31 =	sadd.s32 $0x300, s13;
	s29 =	sor.u32 $0x1C00, s28  }
0xce: {  	[hbm4b:s31+s3] =	stream.linear.scatter [tilespmem:s29], [sflag:$0x1], $0x80, $0x38;
	[tilespmem:$0x8400] =	vst v63  }
0xcf: {  	s28 =	sadd.s32 $0x2000, s28;
	s29 =	sadd.s32 $0x380, s13  }
0xd0: {  	[hbm4b:s29+s3] =	stream.linear.scatter [tilespmem:s28], [sflag:$0x1], $0x80, $0x38;
	[tilespmem:$0x8400] =	vst v63  }
0xd1: {  	s28 =	spop (v2sf)  }
0xd2: {  	s29 =	sshll.u32 s28, $0xA;
	s28 =	sshll.u32 s28, $0x7  }
0xd3: {  	s29 =	sand.u32 $0xFFFFE000, s29;
	s28 =	sand.u32 $0x380, s28  }
0xd4: {  	s28 =	sor.u32 s28, s29  }
0xd5: {  	s29 =	sor.u32 $0x400, s28  }
0xd6: {  	(v2sf) =	vpush v0, $0xA;
	[hbm4b:s14+s3] =	stream.linear.scatter [tilespmem:s29], [sflag:$0x1], $0x80, $0x38;
	[tilespmem:$0x8400] =	vst v63  }
0xd7: {  	s0 =	sadd.s32 $0x80, s14;
	s29 =	sor.u32 $0x800, s28  }
0xd8: {  	[hbm4b:s0+s3] =	stream.linear.scatter [tilespmem:s29], [sflag:$0x1], $0x80, $0x38;
	[tilespmem:$0x8400] =	vst v63  }
0xd9: {  	s1 =	sadd.s32 $0x100, s14;
	s29 =	sor.u32 $0xC00, s28  }
0xda: {  	[hbm4b:s1+s3] =	stream.linear.scatter [tilespmem:s29], [sflag:$0x1], $0x80, $0x38;
	[tilespmem:$0x8400] =	vst v63  }
0xdb: {  	s31 =	sadd.s32 $0x180, s14;
	s29 =	sor.u32 $0x1000, s28  }
0xdc: {  	[hbm4b:s31+s3] =	stream.linear.scatter [tilespmem:s29], [sflag:$0x1], $0x80, $0x38;
	[tilespmem:$0x8400] =	vst v63  }
0xdd: {  	s0 =	sadd.s32 $0x200, s14;
	s29 =	sor.u32 $0x1400, s28  }
0xde: {  	[hbm4b:s0+s3] =	stream.linear.scatter [tilespmem:s29], [sflag:$0x1], $0x80, $0x38;
	[tilespmem:$0x8400] =	vst v63  }
0xdf: {  	s1 =	sadd.s32 $0x280, s14;
	s29 =	sor.u32 $0x1800, s28  }
0xe0: {  	[hbm4b:s1+s3] =	stream.linear.scatter [tilespmem:s29], [sflag:$0x1], $0x80, $0x38;
	[tilespmem:$0x8400] =	vst v63  }
0xe1: {  	s31 =	sadd.s32 $0x300, s14;
	s29 =	sor.u32 $0x1C00, s28  }
0xe2: {  	[hbm4b:s31+s3] =	stream.linear.scatter [tilespmem:s29], [sflag:$0x1], $0x80, $0x38;
	[tilespmem:$0x8400] =	vst v63  }
0xe3: {  	s28 =	sadd.s32 $0x2000, s28;
	s29 =	sadd.s32 $0x380, s14  }
0xe4: {  	[hbm4b:s29+s3] =	stream.linear.scatter [tilespmem:s28], [sflag:$0x1], $0x80, $0x38;
	[tilespmem:$0x8400] =	vst v63  }
0xe5: {  	s28 =	spop (v2sf)  }
0xe6: {  	s29 =	sshll.u32 s28, $0xA;
	s28 =	sshll.u32 s28, $0x7  }
0xe7: {  	s29 =	sand.u32 $0xFFFFE000, s29;
	s28 =	sand.u32 $0x380, s28  }
0xe8: {  	s28 =	sor.u32 s28, s29  }
0xe9: {  	s29 =	sor.u32 $0x400, s28  }
0xea: {  	(v2sf) =	vpush v0, $0xB;
	[hbm4b:s15+s3] =	stream.linear.scatter [tilespmem:s29], [sflag:$0x1], $0x80, $0x38;
	[tilespmem:$0x8400] =	vst v63  }
0xeb: {  	s0 =	sadd.s32 $0x80, s15;
	s29 =	sor.u32 $0x800, s28  }
0xec: {  	[hbm4b:s0+s3] =	stream.linear.scatter [tilespmem:s29], [sflag:$0x1], $0x80, $0x38;
	[tilespmem:$0x8400] =	vst v63  }
0xed: {  	s1 =	sadd.s32 $0x100, s15;
	s29 =	sor.u32 $0xC00, s28  }
0xee: {  	[hbm4b:s1+s3] =	stream.linear.scatter [tilespmem:s29], [sflag:$0x1], $0x80, $0x38;
	[tilespmem:$0x8400] =	vst v63  }
0xef: {  	s31 =	sadd.s32 $0x180, s15;
	s29 =	sor.u32 $0x1000, s28  }
0xf0: {  	[hbm4b:s31+s3] =	stream.linear.scatter [tilespmem:s29], [sflag:$0x1], $0x80, $0x38;
	[tilespmem:$0x8400] =	vst v63  }
0xf1: {  	s0 =	sadd.s32 $0x200, s15;
	s29 =	sor.u32 $0x1400, s28  }
0xf2: {  	[hbm4b:s0+s3] =	stream.linear.scatter [tilespmem:s29], [sflag:$0x1], $0x80, $0x38;
	[tilespmem:$0x8400] =	vst v63  }
0xf3: {  	s1 =	sadd.s32 $0x280, s15;
	s29 =	sor.u32 $0x1800, s28  }
0xf4: {  	[hbm4b:s1+s3] =	stream.linear.scatter [tilespmem:s29], [sflag:$0x1], $0x80, $0x38;
	[tilespmem:$0x8400] =	vst v63  }
0xf5: {  	s31 =	sadd.s32 $0x300, s15;
	s29 =	sor.u32 $0x1C00, s28  }
0xf6: {  	[hbm4b:s31+s3] =	stream.linear.scatter [tilespmem:s29], [sflag:$0x1], $0x80, $0x38;
	[tilespmem:$0x8400] =	vst v63  }
0xf7: {  	s28 =	sadd.s32 $0x2000, s28;
	s29 =	sadd.s32 $0x380, s15  }
0xf8: {  	[hbm4b:s29+s3] =	stream.linear.scatter [tilespmem:s28], [sflag:$0x1], $0x80, $0x38;
	[tilespmem:$0x8400] =	vst v63  }
0xf9: {  	s28 =	spop (v2sf)  }
0xfa: {  	s29 =	sshll.u32 s28, $0xA;
	s28 =	sshll.u32 s28, $0x7  }
0xfb: {  	s29 =	sand.u32 $0xFFFFE000, s29;
	s28 =	sand.u32 $0x380, s28  }
0xfc: {  	s28 =	sor.u32 s28, s29  }
0xfd: {  	s29 =	sor.u32 $0x400, s28  }
0xfe: {  	(v2sf) =	vpush v0, $0xC;
	[hbm4b:s16+s3] =	stream.linear.scatter [tilespmem:s29], [sflag:$0x1], $0x80, $0x38;
	[tilespmem:$0x8400] =	vst v63  }
0xff: {  	s0 =	sadd.s32 $0x80, s16;
	s29 =	sor.u32 $0x800, s28  }
0x100: {  	[hbm4b:s0+s3] =	stream.linear.scatter [tilespmem:s29], [sflag:$0x1], $0x80, $0x38;
	[tilespmem:$0x8400] =	vst v63  }
0x101: {  	s1 =	sadd.s32 $0x100, s16;
	s29 =	sor.u32 $0xC00, s28  }
0x102: {  	[hbm4b:s1+s3] =	stream.linear.scatter [tilespmem:s29], [sflag:$0x1], $0x80, $0x38;
	[tilespmem:$0x8400] =	vst v63  }
0x103: {  	s31 =	sadd.s32 $0x180, s16;
	s29 =	sor.u32 $0x1000, s28  }
0x104: {  	[hbm4b:s31+s3] =	stream.linear.scatter [tilespmem:s29], [sflag:$0x1], $0x80, $0x38;
	[tilespmem:$0x8400] =	vst v63  }
0x105: {  	s0 =	sadd.s32 $0x200, s16;
	s29 =	sor.u32 $0x1400, s28  }
0x106: {  	[hbm4b:s0+s3] =	stream.linear.scatter [tilespmem:s29], [sflag:$0x1], $0x80, $0x38;
	[tilespmem:$0x8400] =	vst v63  }
0x107: {  	s1 =	sadd.s32 $0x280, s16;
	s29 =	sor.u32 $0x1800, s28  }
0x108: {  	[hbm4b:s1+s3] =	stream.linear.scatter [tilespmem:s29], [sflag:$0x1], $0x80, $0x38;
	[tilespmem:$0x8400] =	vst v63  }
0x109: {  	s31 =	sadd.s32 $0x300, s16;
	s29 =	sor.u32 $0x1C00, s28  }
0x10a: {  	[hbm4b:s31+s3] =	stream.linear.scatter [tilespmem:s29], [sflag:$0x1], $0x80, $0x38;
	[tilespmem:$0x8400] =	vst v63  }
0x10b: {  	s28 =	sadd.s32 $0x2000, s28;
	s29 =	sadd.s32 $0x380, s16  }
0x10c: {  	[hbm4b:s29+s3] =	stream.linear.scatter [tilespmem:s28], [sflag:$0x1], $0x80, $0x38;
	[tilespmem:$0x8400] =	vst v63  }
0x10d: {  	s28 =	spop (v2sf)  }
0x10e: {  	s29 =	sshll.u32 s28, $0xA;
	s28 =	sshll.u32 s28, $0x7  }
0x10f: {  	s29 =	sand.u32 $0xFFFFE000, s29;
	s28 =	sand.u32 $0x380, s28  }
0x110: {  	s28 =	sor.u32 s28, s29  }
0x111: {  	s29 =	sor.u32 $0x400, s28  }
0x112: {  	(v2sf) =	vpush v0, $0xD;
	[hbm4b:s17+s3] =	stream.linear.scatter [tilespmem:s29], [sflag:$0x1], $0x80, $0x38;
	[tilespmem:$0x8400] =	vst v63  }
0x113: {  	s0 =	sadd.s32 $0x80, s17;
	s29 =	sor.u32 $0x800, s28  }
0x114: {  	[hbm4b:s0+s3] =	stream.linear.scatter [tilespmem:s29], [sflag:$0x1], $0x80, $0x38;
	[tilespmem:$0x8400] =	vst v63  }
0x115: {  	s1 =	sadd.s32 $0x100, s17;
	s29 =	sor.u32 $0xC00, s28  }
0x116: {  	[hbm4b:s1+s3] =	stream.linear.scatter [tilespmem:s29], [sflag:$0x1], $0x80, $0x38;
	[tilespmem:$0x8400] =	vst v63  }
0x117: {  	s31 =	sadd.s32 $0x180, s17;
	s29 =	sor.u32 $0x1000, s28  }
0x118: {  	[hbm4b:s31+s3] =	stream.linear.scatter [tilespmem:s29], [sflag:$0x1], $0x80, $0x38;
	[tilespmem:$0x8400] =	vst v63  }
0x119: {  	s0 =	sadd.s32 $0x200, s17;
	s29 =	sor.u32 $0x1400, s28  }
0x11a: {  	[hbm4b:s0+s3] =	stream.linear.scatter [tilespmem:s29], [sflag:$0x1], $0x80, $0x38;
	[tilespmem:$0x8400] =	vst v63  }
0x11b: {  	s1 =	sadd.s32 $0x280, s17;
	s29 =	sor.u32 $0x1800, s28  }
0x11c: {  	[hbm4b:s1+s3] =	stream.linear.scatter [tilespmem:s29], [sflag:$0x1], $0x80, $0x38;
	[tilespmem:$0x8400] =	vst v63  }
0x11d: {  	s31 =	sadd.s32 $0x300, s17;
	s29 =	sor.u32 $0x1C00, s28  }
0x11e: {  	[hbm4b:s31+s3] =	stream.linear.scatter [tilespmem:s29], [sflag:$0x1], $0x80, $0x38;
	[tilespmem:$0x8400] =	vst v63  }
0x11f: {  	s28 =	sadd.s32 $0x2000, s28;
	s29 =	sadd.s32 $0x380, s17  }
0x120: {  	[hbm4b:s29+s3] =	stream.linear.scatter [tilespmem:s28], [sflag:$0x1], $0x80, $0x38;
	[tilespmem:$0x8400] =	vst v63  }
0x121: {  	s28 =	spop (v2sf)  }
0x122: {  	s29 =	sshll.u32 s28, $0xA;
	s28 =	sshll.u32 s28, $0x7  }
0x123: {  	s29 =	sand.u32 $0xFFFFE000, s29;
	s28 =	sand.u32 $0x380, s28  }
0x124: {  	s28 =	sor.u32 s28, s29  }
0x125: {  	s29 =	sor.u32 $0x400, s28  }
0x126: {  	(v2sf) =	vpush v0, $0xE;
	[hbm4b:s18+s3] =	stream.linear.scatter [tilespmem:s29], [sflag:$0x1], $0x80, $0x38;
	[tilespmem:$0x8400] =	vst v63  }
0x127: {  	s0 =	sadd.s32 $0x80, s18;
	s29 =	sor.u32 $0x800, s28  }
0x128: {  	[hbm4b:s0+s3] =	stream.linear.scatter [tilespmem:s29], [sflag:$0x1], $0x80, $0x38;
	[tilespmem:$0x8400] =	vst v63  }
0x129: {  	s1 =	sadd.s32 $0x100, s18;
	s29 =	sor.u32 $0xC00, s28  }
0x12a: {  	[hbm4b:s1+s3] =	stream.linear.scatter [tilespmem:s29], [sflag:$0x1], $0x80, $0x38;
	[tilespmem:$0x8400] =	vst v63  }
0x12b: {  	s31 =	sadd.s32 $0x180, s18;
	s29 =	sor.u32 $0x1000, s28  }
0x12c: {  	[hbm4b:s31+s3] =	stream.linear.scatter [tilespmem:s29], [sflag:$0x1], $0x80, $0x38;
	[tilespmem:$0x8400] =	vst v63  }
0x12d: {  	s0 =	sadd.s32 $0x200, s18;
	s29 =	sor.u32 $0x1400, s28  }
0x12e: {  	[hbm4b:s0+s3] =	stream.linear.scatter [tilespmem:s29], [sflag:$0x1], $0x80, $0x38;
	[tilespmem:$0x8400] =	vst v63  }
0x12f: {  	s1 =	sadd.s32 $0x280, s18;
	s29 =	sor.u32 $0x1800, s28  }
0x130: {  	[hbm4b:s1+s3] =	stream.linear.scatter [tilespmem:s29], [sflag:$0x1], $0x80, $0x38;
	[tilespmem:$0x8400] =	vst v63  }
0x131: {  	s31 =	sadd.s32 $0x300, s18;
	s29 =	sor.u32 $0x1C00, s28  }
0x132: {  	[hbm4b:s31+s3] =	stream.linear.scatter [tilespmem:s29], [sflag:$0x1], $0x80, $0x38;
	[tilespmem:$0x8400] =	vst v63  }
0x133: {  	s28 =	sadd.s32 $0x2000, s28;
	s29 =	sadd.s32 $0x380, s18  }
0x134: {  	[hbm4b:s29+s3] =	stream.linear.scatter [tilespmem:s28], [sflag:$0x1], $0x80, $0x38;
	[tilespmem:$0x8400] =	vst v63  }
0x135: {  	s28 =	spop (v2sf)  }
0x136: {  	s29 =	sshll.u32 s28, $0xA;
	s28 =	sshll.u32 s28, $0x7  }
0x137: {  	s29 =	sand.u32 $0xFFFFE000, s29;
	s28 =	sand.u32 $0x380, s28  }
0x138: {  	s28 =	sor.u32 s28, s29  }
0x139: {  	s29 =	sor.u32 $0x400, s28  }
0x13a: {  	(v2sf) =	vpush v0, $0xF;
	[hbm4b:s19+s3] =	stream.linear.scatter [tilespmem:s29], [sflag:$0x1], $0x80, $0x38;
	[tilespmem:$0x8400] =	vst v63  }
0x13b: {  	s0 =	sadd.s32 $0x80, s19;
	s29 =	sor.u32 $0x800, s28  }
0x13c: {  	[hbm4b:s0+s3] =	stream.linear.scatter [tilespmem:s29], [sflag:$0x1], $0x80, $0x38;
	[tilespmem:$0x8400] =	vst v63  }
0x13d: {  	s1 =	sadd.s32 $0x100, s19;
	s29 =	sor.u32 $0xC00, s28  }
0x13e: {  	[hbm4b:s1+s3] =	stream.linear.scatter [tilespmem:s29], [sflag:$0x1], $0x80, $0x38;
	[tilespmem:$0x8400] =	vst v63  }
0x13f: {  	s31 =	sadd.s32 $0x180, s19;
	s29 =	sor.u32 $0x1000, s28  }
0x140: {  	[hbm4b:s31+s3] =	stream.linear.scatter [tilespmem:s29], [sflag:$0x1], $0x80, $0x38;
	[tilespmem:$0x8400] =	vst v63  }
0x141: {  	s0 =	sadd.s32 $0x200, s19;
	s29 =	sor.u32 $0x1400, s28  }
0x142: {  	[hbm4b:s0+s3] =	stream.linear.scatter [tilespmem:s29], [sflag:$0x1], $0x80, $0x38;
	[tilespmem:$0x8400] =	vst v63  }
0x143: {  	s1 =	sadd.s32 $0x280, s19;
	s29 =	sor.u32 $0x1800, s28  }
0x144: {  	[hbm4b:s1+s3] =	stream.linear.scatter [tilespmem:s29], [sflag:$0x1], $0x80, $0x38;
	[tilespmem:$0x8400] =	vst v63  }
0x145: {  	s31 =	sadd.s32 $0x300, s19;
	s29 =	sor.u32 $0x1C00, s28  }
0x146: {  	[hbm4b:s31+s3] =	stream.linear.scatter [tilespmem:s29], [sflag:$0x1], $0x80, $0x38;
	[tilespmem:$0x8400] =	vst v63  }
0x147: {  	s28 =	sadd.s32 $0x2000, s28;
	s29 =	sadd.s32 $0x380, s19  }
0x148: {  	[hbm4b:s29+s3] =	stream.linear.scatter [tilespmem:s28], [sflag:$0x1], $0x80, $0x38;
	[tilespmem:$0x8400] =	vst v63  }
0x149: {  	s28 =	spop (v2sf)  }
0x14a: {  	s29 =	sshll.u32 s28, $0xA;
	s28 =	sshll.u32 s28, $0x7  }
0x14b: {  	s29 =	sand.u32 $0xFFFFE000, s29;
	s28 =	sand.u32 $0x380, s28  }
0x14c: {  	s28 =	sor.u32 s28, s29  }
0x14d: {  	s29 =	sor.u32 $0x400, s28  }
0x14e: {  	[hbm4b:s20+s3] =	stream.linear.scatter [tilespmem:s29], [sflag:$0x1], $0x80, $0x38;
	[tilespmem:$0x8400] =	vst v63  }
0x14f: {  	s0 =	sadd.s32 $0x80, s20;
	s29 =	sor.u32 $0x800, s28  }
0x150: {  	[hbm4b:s0+s3] =	stream.linear.scatter [tilespmem:s29], [sflag:$0x1], $0x80, $0x38;
	[tilespmem:$0x8400] =	vst v63  }
0x151: {  	s1 =	sadd.s32 $0x100, s20;
	s29 =	sor.u32 $0xC00, s28  }
0x152: {  	[hbm4b:s1+s3] =	stream.linear.scatter [tilespmem:s29], [sflag:$0x1], $0x80, $0x38;
	[tilespmem:$0x8400] =	vst v63  }
0x153: {  	s31 =	sadd.s32 $0x180, s20;
	s29 =	sor.u32 $0x1000, s28  }
0x154: {  	[hbm4b:s31+s3] =	stream.linear.scatter [tilespmem:s29], [sflag:$0x1], $0x80, $0x38;
	[tilespmem:$0x8400] =	vst v63  }
0x155: {  	s0 =	sadd.s32 $0x200, s20;
	s29 =	sor.u32 $0x1400, s28  }
0x156: {  	[hbm4b:s0+s3] =	stream.linear.scatter [tilespmem:s29], [sflag:$0x1], $0x80, $0x38;
	[tilespmem:$0x8400] =	vst v63  }
0x157: {  	s1 =	sadd.s32 $0x280, s20;
	s29 =	sor.u32 $0x1800, s28  }
0x158: {  	[hbm4b:s1+s3] =	stream.linear.scatter [tilespmem:s29], [sflag:$0x1], $0x80, $0x38;
	[tilespmem:$0x8400] =	vst v63  }
0x159: {  	s31 =	sadd.s32 $0x300, s20;
	s29 =	sor.u32 $0x1C00, s28  }
0x15a: {  	[hbm4b:s31+s3] =	stream.linear.scatter [tilespmem:s29], [sflag:$0x1], $0x80, $0x38;
	[tilespmem:$0x8400] =	vst v63  }
0x15b: {  	s28 =	sadd.s32 $0x2000, s28;
	s29 =	sadd.s32 $0x380, s20  }
0x15c: {  	[hbm4b:s29+s3] =	stream.linear.scatter [tilespmem:s28], [sflag:$0x1], $0x80, $0x38;
	[tilespmem:$0x8400] =	vst v63  }
0x15d: {  	s28 =	simm.s32 $0x10;
	s29 =	simm.s32 $0x0  }
.LBB2_2:
0x15e: {  	v0 =	vld [tilespmem:s28+$0x0];
	_ =	sdelay $0x4  }
0x15f: {  	(v2sf) =	vpush v0, $0x0;
	_ =	sdelay $0xe  }
0x160: {  	s30 =	spop (v2sf)  }
0x161: {  	s31 =	sshll.u32 s30, $0xA;
	s30 =	sshll.u32 s30, $0x7  }
0x162: {  	s31 =	sand.u32 $0xFFFFE000, s31;
	s30 =	sand.u32 $0x380, s30  }
0x163: {  	s1 =	rddreg [dreg:$0x4];
	s31 =	sor.u32 s30, s31  }
0x164: {  	s30 =	sadd.s32 s29, s1;
	s0 =	sor.u32 $0x400, s31  }
0x165: {  	(v2sf) =	vpush v0, $0x1;
	[hbm4b:s30+s3] =	stream.linear.scatter [tilespmem:s0], [sflag:$0x1], $0x80, $0x38;
	[tilespmem:$0x8400] =	vst v63  }
0x166: {  	s1 =	sadd.s32 $0x80, s30;
	s0 =	sor.u32 $0x800, s31  }
0x167: {  	[hbm4b:s1+s3] =	stream.linear.scatter [tilespmem:s0], [sflag:$0x1], $0x80, $0x38;
	[tilespmem:$0x8400] =	vst v63  }
0x168: {  	s0 =	sor.u32 $0xC00, s31;
	s1 =	sadd.s32 $0x100, s30  }
0x169: {  	[hbm4b:s1+s3] =	stream.linear.scatter [tilespmem:s0], [sflag:$0x1], $0x80, $0x38;
	[tilespmem:$0x8400] =	vst v63  }
0x16a: {  	s0 =	sor.u32 $0x1000, s31;
	s1 =	sadd.s32 $0x180, s30  }
0x16b: {  	[hbm4b:s1+s3] =	stream.linear.scatter [tilespmem:s0], [sflag:$0x1], $0x80, $0x38;
	[tilespmem:$0x8400] =	vst v63  }
0x16c: {  	s0 =	sor.u32 $0x1400, s31;
	s1 =	sadd.s32 $0x200, s30  }
0x16d: {  	[hbm4b:s1+s3] =	stream.linear.scatter [tilespmem:s0], [sflag:$0x1], $0x80, $0x38;
	[tilespmem:$0x8400] =	vst v63  }
0x16e: {  	s0 =	sor.u32 $0x1800, s31;
	s1 =	sadd.s32 $0x280, s30  }
0x16f: {  	[hbm4b:s1+s3] =	stream.linear.scatter [tilespmem:s0], [sflag:$0x1], $0x80, $0x38;
	[tilespmem:$0x8400] =	vst v63  }
0x170: {  	s0 =	sor.u32 $0x1C00, s31;
	s1 =	sadd.s32 $0x300, s30  }
0x171: {  	[hbm4b:s1+s3] =	stream.linear.scatter [tilespmem:s0], [sflag:$0x1], $0x80, $0x38;
	[tilespmem:$0x8400] =	vst v63  }
0x172: {  	s1 =	sadd.s32 $0x2000, s31;
	s31 =	sadd.s32 $0x380, s30  }
0x173: {  	[hbm4b:s31+s3] =	stream.linear.scatter [tilespmem:s1], [sflag:$0x1], $0x80, $0x38;
	[tilespmem:$0x8400] =	vst v63  }
0x174: {  	s1 =	spop (v2sf)  }
0x175: {  	s31 =	sshll.u32 s1, $0xA;
	s0 =	sshll.u32 s1, $0x7  }
0x176: {  	s1 =	sand.u32 $0xFFFFE000, s31;
	s0 =	sand.u32 $0x380, s0  }
0x177: {  	(v2sf) =	vpush v0, $0x2;
	s0 =	sor.u32 s0, s1  }
0x178: {  	s31 =	sadd.s32 $0x10, s30;
	s1 =	sor.u32 $0x400, s0  }
0x179: {  	[hbm4b:s31+s3] =	stream.linear.scatter [tilespmem:s1], [sflag:$0x1], $0x80, $0x38;
	[tilespmem:$0x8400] =	vst v63  }
0x17a: {  	s1 =	sor.u32 $0x800, s0;
	s31 =	sadd.s32 $0x90, s30  }
0x17b: {  	[hbm4b:s31+s3] =	stream.linear.scatter [tilespmem:s1], [sflag:$0x1], $0x80, $0x38;
	[tilespmem:$0x8400] =	vst v63  }
0x17c: {  	s1 =	sor.u32 $0xC00, s0;
	s31 =	sadd.s32 $0x110, s30  }
0x17d: {  	[hbm4b:s31+s3] =	stream.linear.scatter [tilespmem:s1], [sflag:$0x1], $0x80, $0x38;
	[tilespmem:$0x8400] =	vst v63  }
0x17e: {  	s1 =	sor.u32 $0x1000, s0;
	s31 =	sadd.s32 $0x190, s30  }
0x17f: {  	[hbm4b:s31+s3] =	stream.linear.scatter [tilespmem:s1], [sflag:$0x1], $0x80, $0x38;
	[tilespmem:$0x8400] =	vst v63  }
0x180: {  	s1 =	sor.u32 $0x1400, s0;
	s31 =	sadd.s32 $0x210, s30  }
0x181: {  	[hbm4b:s31+s3] =	stream.linear.scatter [tilespmem:s1], [sflag:$0x1], $0x80, $0x38;
	[tilespmem:$0x8400] =	vst v63  }
0x182: {  	s1 =	sor.u32 $0x1800, s0;
	s31 =	sadd.s32 $0x290, s30  }
0x183: {  	[hbm4b:s31+s3] =	stream.linear.scatter [tilespmem:s1], [sflag:$0x1], $0x80, $0x38;
	[tilespmem:$0x8400] =	vst v63  }
0x184: {  	s1 =	sor.u32 $0x1C00, s0;
	s31 =	sadd.s32 $0x310, s30  }
0x185: {  	[hbm4b:s31+s3] =	stream.linear.scatter [tilespmem:s1], [sflag:$0x1], $0x80, $0x38;
	[tilespmem:$0x8400] =	vst v63  }
0x186: {  	s0 =	sadd.s32 $0x2000, s0;
	s31 =	sadd.s32 $0x390, s30;
	s1 =	spop (v2sf)  }
0x187: {  	[hbm4b:s31+s3] =	stream.linear.scatter [tilespmem:s0], [sflag:$0x1], $0x80, $0x38;
	[tilespmem:$0x8400] =	vst v63  }
0x188: {  	s31 =	sshll.u32 s1, $0xA;
	s0 =	sshll.u32 s1, $0x7  }
0x189: {  	s1 =	sand.u32 $0xFFFFE000, s31;
	s0 =	sand.u32 $0x380, s0  }
0x18a: {  	(v2sf) =	vpush v0, $0x3;
	s0 =	sor.u32 s0, s1  }
0x18b: {  	s31 =	sadd.s32 $0x20, s30;
	s1 =	sor.u32 $0x400, s0  }
0x18c: {  	[hbm4b:s31+s3] =	stream.linear.scatter [tilespmem:s1], [sflag:$0x1], $0x80, $0x38;
	[tilespmem:$0x8400] =	vst v63  }
0x18d: {  	s1 =	sor.u32 $0x800, s0;
	s31 =	sadd.s32 $0xA0, s30  }
0x18e: {  	[hbm4b:s31+s3] =	stream.linear.scatter [tilespmem:s1], [sflag:$0x1], $0x80, $0x38;
	[tilespmem:$0x8400] =	vst v63  }
0x18f: {  	s1 =	sor.u32 $0xC00, s0;
	s31 =	sadd.s32 $0x120, s30  }
0x190: {  	[hbm4b:s31+s3] =	stream.linear.scatter [tilespmem:s1], [sflag:$0x1], $0x80, $0x38;
	[tilespmem:$0x8400] =	vst v63  }
0x191: {  	s1 =	sor.u32 $0x1000, s0;
	s31 =	sadd.s32 $0x1A0, s30  }
0x192: {  	[hbm4b:s31+s3] =	stream.linear.scatter [tilespmem:s1], [sflag:$0x1], $0x80, $0x38;
	[tilespmem:$0x8400] =	vst v63  }
0x193: {  	s1 =	sor.u32 $0x1400, s0;
	s31 =	sadd.s32 $0x220, s30  }
0x194: {  	[hbm4b:s31+s3] =	stream.linear.scatter [tilespmem:s1], [sflag:$0x1], $0x80, $0x38;
	[tilespmem:$0x8400] =	vst v63  }
0x195: {  	s1 =	sor.u32 $0x1800, s0;
	s31 =	sadd.s32 $0x2A0, s30  }
0x196: {  	[hbm4b:s31+s3] =	stream.linear.scatter [tilespmem:s1], [sflag:$0x1], $0x80, $0x38;
	[tilespmem:$0x8400] =	vst v63  }
0x197: {  	s1 =	sor.u32 $0x1C00, s0;
	s31 =	sadd.s32 $0x320, s30  }
0x198: {  	[hbm4b:s31+s3] =	stream.linear.scatter [tilespmem:s1], [sflag:$0x1], $0x80, $0x38;
	[tilespmem:$0x8400] =	vst v63  }
0x199: {  	s0 =	sadd.s32 $0x2000, s0;
	s31 =	sadd.s32 $0x3A0, s30;
	s1 =	spop (v2sf)  }
0x19a: {  	[hbm4b:s31+s3] =	stream.linear.scatter [tilespmem:s0], [sflag:$0x1], $0x80, $0x38;
	[tilespmem:$0x8400] =	vst v63  }
0x19b: {  	s31 =	sshll.u32 s1, $0xA;
	s0 =	sshll.u32 s1, $0x7  }
0x19c: {  	s1 =	sand.u32 $0xFFFFE000, s31;
	s0 =	sand.u32 $0x380, s0  }
0x19d: {  	(v2sf) =	vpush v0, $0x4;
	s0 =	sor.u32 s0, s1  }
0x19e: {  	s31 =	sadd.s32 $0x30, s30;
	s1 =	sor.u32 $0x400, s0  }
0x19f: {  	[hbm4b:s31+s3] =	stream.linear.scatter [tilespmem:s1], [sflag:$0x1], $0x80, $0x38;
	[tilespmem:$0x8400] =	vst v63  }
0x1a0: {  	s1 =	sor.u32 $0x800, s0;
	s31 =	sadd.s32 $0xB0, s30  }
0x1a1: {  	[hbm4b:s31+s3] =	stream.linear.scatter [tilespmem:s1], [sflag:$0x1], $0x80, $0x38;
	[tilespmem:$0x8400] =	vst v63  }
0x1a2: {  	s1 =	sor.u32 $0xC00, s0;
	s31 =	sadd.s32 $0x130, s30  }
0x1a3: {  	[hbm4b:s31+s3] =	stream.linear.scatter [tilespmem:s1], [sflag:$0x1], $0x80, $0x38;
	[tilespmem:$0x8400] =	vst v63  }
0x1a4: {  	s1 =	sor.u32 $0x1000, s0;
	s31 =	sadd.s32 $0x1B0, s30  }
0x1a5: {  	[hbm4b:s31+s3] =	stream.linear.scatter [tilespmem:s1], [sflag:$0x1], $0x80, $0x38;
	[tilespmem:$0x8400] =	vst v63  }
0x1a6: {  	s1 =	sor.u32 $0x1400, s0;
	s31 =	sadd.s32 $0x230, s30  }
0x1a7: {  	[hbm4b:s31+s3] =	stream.linear.scatter [tilespmem:s1], [sflag:$0x1], $0x80, $0x38;
	[tilespmem:$0x8400] =	vst v63  }
0x1a8: {  	s1 =	sor.u32 $0x1800, s0;
	s31 =	sadd.s32 $0x2B0, s30  }
0x1a9: {  	[hbm4b:s31+s3] =	stream.linear.scatter [tilespmem:s1], [sflag:$0x1], $0x80, $0x38;
	[tilespmem:$0x8400] =	vst v63  }
0x1aa: {  	s1 =	sor.u32 $0x1C00, s0;
	s31 =	sadd.s32 $0x330, s30  }
0x1ab: {  	[hbm4b:s31+s3] =	stream.linear.scatter [tilespmem:s1], [sflag:$0x1], $0x80, $0x38;
	[tilespmem:$0x8400] =	vst v63  }
0x1ac: {  	s0 =	sadd.s32 $0x2000, s0;
	s31 =	sadd.s32 $0x3B0, s30;
	s1 =	spop (v2sf)  }
0x1ad: {  	[hbm4b:s31+s3] =	stream.linear.scatter [tilespmem:s0], [sflag:$0x1], $0x80, $0x38;
	[tilespmem:$0x8400] =	vst v63  }
0x1ae: {  	s31 =	sshll.u32 s1, $0xA;
	s0 =	sshll.u32 s1, $0x7  }
0x1af: {  	s1 =	sand.u32 $0xFFFFE000, s31;
	s0 =	sand.u32 $0x380, s0  }
0x1b0: {  	(v2sf) =	vpush v0, $0x5;
	s0 =	sor.u32 s0, s1  }
0x1b1: {  	s31 =	sadd.s32 $0x40, s30;
	s1 =	sor.u32 $0x400, s0  }
0x1b2: {  	[hbm4b:s31+s3] =	stream.linear.scatter [tilespmem:s1], [sflag:$0x1], $0x80, $0x38;
	[tilespmem:$0x8400] =	vst v63  }
0x1b3: {  	s1 =	sor.u32 $0x800, s0;
	s31 =	sadd.s32 $0xC0, s30  }
0x1b4: {  	[hbm4b:s31+s3] =	stream.linear.scatter [tilespmem:s1], [sflag:$0x1], $0x80, $0x38;
	[tilespmem:$0x8400] =	vst v63  }
0x1b5: {  	s1 =	sor.u32 $0xC00, s0;
	s31 =	sadd.s32 $0x140, s30  }
0x1b6: {  	[hbm4b:s31+s3] =	stream.linear.scatter [tilespmem:s1], [sflag:$0x1], $0x80, $0x38;
	[tilespmem:$0x8400] =	vst v63  }
0x1b7: {  	s1 =	sor.u32 $0x1000, s0;
	s31 =	sadd.s32 $0x1C0, s30  }
0x1b8: {  	[hbm4b:s31+s3] =	stream.linear.scatter [tilespmem:s1], [sflag:$0x1], $0x80, $0x38;
	[tilespmem:$0x8400] =	vst v63  }
0x1b9: {  	s1 =	sor.u32 $0x1400, s0;
	s31 =	sadd.s32 $0x240, s30  }
0x1ba: {  	[hbm4b:s31+s3] =	stream.linear.scatter [tilespmem:s1], [sflag:$0x1], $0x80, $0x38;
	[tilespmem:$0x8400] =	vst v63  }
0x1bb: {  	s1 =	sor.u32 $0x1800, s0;
	s31 =	sadd.s32 $0x2C0, s30  }
0x1bc: {  	[hbm4b:s31+s3] =	stream.linear.scatter [tilespmem:s1], [sflag:$0x1], $0x80, $0x38;
	[tilespmem:$0x8400] =	vst v63  }
0x1bd: {  	s1 =	sor.u32 $0x1C00, s0;
	s31 =	sadd.s32 $0x340, s30  }
0x1be: {  	[hbm4b:s31+s3] =	stream.linear.scatter [tilespmem:s1], [sflag:$0x1], $0x80, $0x38;
	[tilespmem:$0x8400] =	vst v63  }
0x1bf: {  	s0 =	sadd.s32 $0x2000, s0;
	s31 =	sadd.s32 $0x3C0, s30;
	s1 =	spop (v2sf)  }
0x1c0: {  	[hbm4b:s31+s3] =	stream.linear.scatter [tilespmem:s0], [sflag:$0x1], $0x80, $0x38;
	[tilespmem:$0x8400] =	vst v63  }
0x1c1: {  	s31 =	sshll.u32 s1, $0xA;
	s0 =	sshll.u32 s1, $0x7  }
0x1c2: {  	s1 =	sand.u32 $0xFFFFE000, s31;
	s0 =	sand.u32 $0x380, s0  }
0x1c3: {  	(v2sf) =	vpush v0, $0x6;
	s0 =	sor.u32 s0, s1  }
0x1c4: {  	s31 =	sadd.s32 $0x50, s30;
	s1 =	sor.u32 $0x400, s0  }
0x1c5: {  	[hbm4b:s31+s3] =	stream.linear.scatter [tilespmem:s1], [sflag:$0x1], $0x80, $0x38;
	[tilespmem:$0x8400] =	vst v63  }
0x1c6: {  	s1 =	sor.u32 $0x800, s0;
	s31 =	sadd.s32 $0xD0, s30  }
0x1c7: {  	[hbm4b:s31+s3] =	stream.linear.scatter [tilespmem:s1], [sflag:$0x1], $0x80, $0x38;
	[tilespmem:$0x8400] =	vst v63  }
0x1c8: {  	s1 =	sor.u32 $0xC00, s0;
	s31 =	sadd.s32 $0x150, s30  }
0x1c9: {  	[hbm4b:s31+s3] =	stream.linear.scatter [tilespmem:s1], [sflag:$0x1], $0x80, $0x38;
	[tilespmem:$0x8400] =	vst v63  }
0x1ca: {  	s1 =	sor.u32 $0x1000, s0;
	s31 =	sadd.s32 $0x1D0, s30  }
0x1cb: {  	[hbm4b:s31+s3] =	stream.linear.scatter [tilespmem:s1], [sflag:$0x1], $0x80, $0x38;
	[tilespmem:$0x8400] =	vst v63  }
0x1cc: {  	s1 =	sor.u32 $0x1400, s0;
	s31 =	sadd.s32 $0x250, s30  }
0x1cd: {  	[hbm4b:s31+s3] =	stream.linear.scatter [tilespmem:s1], [sflag:$0x1], $0x80, $0x38;
	[tilespmem:$0x8400] =	vst v63  }
0x1ce: {  	s1 =	sor.u32 $0x1800, s0;
	s31 =	sadd.s32 $0x2D0, s30  }
0x1cf: {  	[hbm4b:s31+s3] =	stream.linear.scatter [tilespmem:s1], [sflag:$0x1], $0x80, $0x38;
	[tilespmem:$0x8400] =	vst v63  }
0x1d0: {  	s1 =	sor.u32 $0x1C00, s0;
	s31 =	sadd.s32 $0x350, s30  }
0x1d1: {  	[hbm4b:s31+s3] =	stream.linear.scatter [tilespmem:s1], [sflag:$0x1], $0x80, $0x38;
	[tilespmem:$0x8400] =	vst v63  }
0x1d2: {  	s0 =	sadd.s32 $0x2000, s0;
	s31 =	sadd.s32 $0x3D0, s30;
	s1 =	spop (v2sf)  }
0x1d3: {  	[hbm4b:s31+s3] =	stream.linear.scatter [tilespmem:s0], [sflag:$0x1], $0x80, $0x38;
	[tilespmem:$0x8400] =	vst v63  }
0x1d4: {  	s31 =	sshll.u32 s1, $0xA;
	s0 =	sshll.u32 s1, $0x7  }
0x1d5: {  	s1 =	sand.u32 $0xFFFFE000, s31;
	s0 =	sand.u32 $0x380, s0  }
0x1d6: {  	(v2sf) =	vpush v0, $0x7;
	s0 =	sor.u32 s0, s1  }
0x1d7: {  	s31 =	sadd.s32 $0x60, s30;
	s1 =	sor.u32 $0x400, s0  }
0x1d8: {  	[hbm4b:s31+s3] =	stream.linear.scatter [tilespmem:s1], [sflag:$0x1], $0x80, $0x38;
	[tilespmem:$0x8400] =	vst v63  }
0x1d9: {  	s1 =	sor.u32 $0x800, s0;
	s31 =	sadd.s32 $0xE0, s30  }
0x1da: {  	[hbm4b:s31+s3] =	stream.linear.scatter [tilespmem:s1], [sflag:$0x1], $0x80, $0x38;
	[tilespmem:$0x8400] =	vst v63  }
0x1db: {  	s1 =	sor.u32 $0xC00, s0;
	s31 =	sadd.s32 $0x160, s30  }
0x1dc: {  	[hbm4b:s31+s3] =	stream.linear.scatter [tilespmem:s1], [sflag:$0x1], $0x80, $0x38;
	[tilespmem:$0x8400] =	vst v63  }
0x1dd: {  	s1 =	sor.u32 $0x1000, s0;
	s31 =	sadd.s32 $0x1E0, s30  }
0x1de: {  	[hbm4b:s31+s3] =	stream.linear.scatter [tilespmem:s1], [sflag:$0x1], $0x80, $0x38;
	[tilespmem:$0x8400] =	vst v63  }
0x1df: {  	s1 =	sor.u32 $0x1400, s0;
	s31 =	sadd.s32 $0x260, s30  }
0x1e0: {  	[hbm4b:s31+s3] =	stream.linear.scatter [tilespmem:s1], [sflag:$0x1], $0x80, $0x38;
	[tilespmem:$0x8400] =	vst v63  }
0x1e1: {  	s1 =	sor.u32 $0x1800, s0;
	s31 =	sadd.s32 $0x2E0, s30  }
0x1e2: {  	[hbm4b:s31+s3] =	stream.linear.scatter [tilespmem:s1], [sflag:$0x1], $0x80, $0x38;
	[tilespmem:$0x8400] =	vst v63  }
0x1e3: {  	s1 =	sor.u32 $0x1C00, s0;
	s31 =	sadd.s32 $0x360, s30  }
0x1e4: {  	[hbm4b:s31+s3] =	stream.linear.scatter [tilespmem:s1], [sflag:$0x1], $0x80, $0x38;
	[tilespmem:$0x8400] =	vst v63  }
0x1e5: {  	s0 =	sadd.s32 $0x2000, s0;
	s31 =	sadd.s32 $0x3E0, s30;
	s1 =	spop (v2sf)  }
0x1e6: {  	[hbm4b:s31+s3] =	stream.linear.scatter [tilespmem:s0], [sflag:$0x1], $0x80, $0x38;
	[tilespmem:$0x8400] =	vst v63  }
0x1e7: {  	s31 =	sshll.u32 s1, $0xA;
	s0 =	sshll.u32 s1, $0x7  }
0x1e8: {  	s1 =	sand.u32 $0xFFFFE000, s31;
	s0 =	sand.u32 $0x380, s0  }
0x1e9: {  	(v2sf) =	vpush v0, $0x8;
	s0 =	sor.u32 s0, s1  }
0x1ea: {  	s31 =	sadd.s32 $0x70, s30;
	s1 =	sor.u32 $0x400, s0  }
0x1eb: {  	[hbm4b:s31+s3] =	stream.linear.scatter [tilespmem:s1], [sflag:$0x1], $0x80, $0x38;
	[tilespmem:$0x8400] =	vst v63  }
0x1ec: {  	s1 =	sor.u32 $0x800, s0;
	s31 =	sadd.s32 $0xF0, s30  }
0x1ed: {  	[hbm4b:s31+s3] =	stream.linear.scatter [tilespmem:s1], [sflag:$0x1], $0x80, $0x38;
	[tilespmem:$0x8400] =	vst v63  }
0x1ee: {  	s1 =	sor.u32 $0xC00, s0;
	s31 =	sadd.s32 $0x170, s30  }
0x1ef: {  	[hbm4b:s31+s3] =	stream.linear.scatter [tilespmem:s1], [sflag:$0x1], $0x80, $0x38;
	[tilespmem:$0x8400] =	vst v63  }
0x1f0: {  	s1 =	sor.u32 $0x1000, s0;
	s31 =	sadd.s32 $0x1F0, s30  }
0x1f1: {  	[hbm4b:s31+s3] =	stream.linear.scatter [tilespmem:s1], [sflag:$0x1], $0x80, $0x38;
	[tilespmem:$0x8400] =	vst v63  }
0x1f2: {  	s1 =	sor.u32 $0x1400, s0;
	s31 =	sadd.s32 $0x270, s30  }
0x1f3: {  	[hbm4b:s31+s3] =	stream.linear.scatter [tilespmem:s1], [sflag:$0x1], $0x80, $0x38;
	[tilespmem:$0x8400] =	vst v63  }
0x1f4: {  	s1 =	sor.u32 $0x1800, s0;
	s31 =	sadd.s32 $0x2F0, s30  }
0x1f5: {  	[hbm4b:s31+s3] =	stream.linear.scatter [tilespmem:s1], [sflag:$0x1], $0x80, $0x38;
	[tilespmem:$0x8400] =	vst v63  }
0x1f6: {  	s1 =	sor.u32 $0x1C00, s0;
	s31 =	sadd.s32 $0x370, s30  }
0x1f7: {  	[hbm4b:s31+s3] =	stream.linear.scatter [tilespmem:s1], [sflag:$0x1], $0x80, $0x38;
	[tilespmem:$0x8400] =	vst v63  }
0x1f8: {  	s0 =	sadd.s32 $0x2000, s0;
	s31 =	sadd.s32 $0x3F0, s30;
	s30 =	spop (v2sf)  }
0x1f9: {  	[hbm4b:s31+s3] =	stream.linear.scatter [tilespmem:s0], [sflag:$0x1], $0x80, $0x38;
	[tilespmem:$0x8400] =	vst v63  }
0x1fa: {  	s1 =	sshll.u32 s30, $0xA;
	s0 =	sshll.u32 s30, $0x7  }
0x1fb: {  	s1 =	sand.u32 $0xFFFFE000, s1;
	s0 =	sand.u32 $0x380, s0  }
0x1fc: {  	(v2sf) =	vpush v0, $0x9;
	s31 =	rddreg [dreg:$0x5];
	s0 =	sor.u32 s0, s1  }
0x1fd: {  	s30 =	sadd.s32 s29, s31;
	s1 =	sor.u32 $0x400, s0  }
0x1fe: {  	[hbm4b:s30+s3] =	stream.linear.scatter [tilespmem:s1], [sflag:$0x1], $0x80, $0x38;
	[tilespmem:$0x8400] =	vst v63  }
0x1ff: {  	s31 =	sadd.s32 $0x80, s30;
	s1 =	sor.u32 $0x800, s0  }
0x200: {  	[hbm4b:s31+s3] =	stream.linear.scatter [tilespmem:s1], [sflag:$0x1], $0x80, $0x38;
	[tilespmem:$0x8400] =	vst v63  }
0x201: {  	s1 =	sor.u32 $0xC00, s0;
	s31 =	sadd.s32 $0x100, s30  }
0x202: {  	[hbm4b:s31+s3] =	stream.linear.scatter [tilespmem:s1], [sflag:$0x1], $0x80, $0x38;
	[tilespmem:$0x8400] =	vst v63  }
0x203: {  	s1 =	sor.u32 $0x1000, s0;
	s31 =	sadd.s32 $0x180, s30  }
0x204: {  	[hbm4b:s31+s3] =	stream.linear.scatter [tilespmem:s1], [sflag:$0x1], $0x80, $0x38;
	[tilespmem:$0x8400] =	vst v63  }
0x205: {  	s1 =	sor.u32 $0x1400, s0;
	s31 =	sadd.s32 $0x200, s30  }
0x206: {  	[hbm4b:s31+s3] =	stream.linear.scatter [tilespmem:s1], [sflag:$0x1], $0x80, $0x38;
	[tilespmem:$0x8400] =	vst v63  }
0x207: {  	s1 =	sor.u32 $0x1800, s0;
	s31 =	sadd.s32 $0x280, s30  }
0x208: {  	[hbm4b:s31+s3] =	stream.linear.scatter [tilespmem:s1], [sflag:$0x1], $0x80, $0x38;
	[tilespmem:$0x8400] =	vst v63  }
0x209: {  	s1 =	sor.u32 $0x1C00, s0;
	s31 =	sadd.s32 $0x300, s30  }
0x20a: {  	[hbm4b:s31+s3] =	stream.linear.scatter [tilespmem:s1], [sflag:$0x1], $0x80, $0x38;
	[tilespmem:$0x8400] =	vst v63  }
0x20b: {  	s0 =	sadd.s32 $0x2000, s0;
	s31 =	sadd.s32 $0x380, s30;
	s1 =	spop (v2sf)  }
0x20c: {  	[hbm4b:s31+s3] =	stream.linear.scatter [tilespmem:s0], [sflag:$0x1], $0x80, $0x38;
	[tilespmem:$0x8400] =	vst v63  }
0x20d: {  	s31 =	sshll.u32 s1, $0xA;
	s0 =	sshll.u32 s1, $0x7  }
0x20e: {  	s1 =	sand.u32 $0xFFFFE000, s31;
	s0 =	sand.u32 $0x380, s0  }
0x20f: {  	(v2sf) =	vpush v0, $0xA;
	s0 =	sor.u32 s0, s1  }
0x210: {  	s31 =	sadd.s32 $0x10, s30;
	s1 =	sor.u32 $0x400, s0  }
0x211: {  	[hbm4b:s31+s3] =	stream.linear.scatter [tilespmem:s1], [sflag:$0x1], $0x80, $0x38;
	[tilespmem:$0x8400] =	vst v63  }
0x212: {  	s1 =	sor.u32 $0x800, s0;
	s31 =	sadd.s32 $0x90, s30  }
0x213: {  	[hbm4b:s31+s3] =	stream.linear.scatter [tilespmem:s1], [sflag:$0x1], $0x80, $0x38;
	[tilespmem:$0x8400] =	vst v63  }
0x214: {  	s1 =	sor.u32 $0xC00, s0;
	s31 =	sadd.s32 $0x110, s30  }
0x215: {  	[hbm4b:s31+s3] =	stream.linear.scatter [tilespmem:s1], [sflag:$0x1], $0x80, $0x38;
	[tilespmem:$0x8400] =	vst v63  }
0x216: {  	s1 =	sor.u32 $0x1000, s0;
	s31 =	sadd.s32 $0x190, s30  }
0x217: {  	[hbm4b:s31+s3] =	stream.linear.scatter [tilespmem:s1], [sflag:$0x1], $0x80, $0x38;
	[tilespmem:$0x8400] =	vst v63  }
0x218: {  	s1 =	sor.u32 $0x1400, s0;
	s31 =	sadd.s32 $0x210, s30  }
0x219: {  	[hbm4b:s31+s3] =	stream.linear.scatter [tilespmem:s1], [sflag:$0x1], $0x80, $0x38;
	[tilespmem:$0x8400] =	vst v63  }
0x21a: {  	s1 =	sor.u32 $0x1800, s0;
	s31 =	sadd.s32 $0x290, s30  }
0x21b: {  	[hbm4b:s31+s3] =	stream.linear.scatter [tilespmem:s1], [sflag:$0x1], $0x80, $0x38;
	[tilespmem:$0x8400] =	vst v63  }
0x21c: {  	s1 =	sor.u32 $0x1C00, s0;
	s31 =	sadd.s32 $0x310, s30  }
0x21d: {  	[hbm4b:s31+s3] =	stream.linear.scatter [tilespmem:s1], [sflag:$0x1], $0x80, $0x38;
	[tilespmem:$0x8400] =	vst v63  }
0x21e: {  	s0 =	sadd.s32 $0x2000, s0;
	s31 =	sadd.s32 $0x390, s30;
	s1 =	spop (v2sf)  }
0x21f: {  	[hbm4b:s31+s3] =	stream.linear.scatter [tilespmem:s0], [sflag:$0x1], $0x80, $0x38;
	[tilespmem:$0x8400] =	vst v63  }
0x220: {  	s31 =	sshll.u32 s1, $0xA;
	s0 =	sshll.u32 s1, $0x7  }
0x221: {  	s1 =	sand.u32 $0xFFFFE000, s31;
	s0 =	sand.u32 $0x380, s0  }
0x222: {  	(v2sf) =	vpush v0, $0xB;
	s0 =	sor.u32 s0, s1  }
0x223: {  	s31 =	sadd.s32 $0x20, s30;
	s1 =	sor.u32 $0x400, s0  }
0x224: {  	[hbm4b:s31+s3] =	stream.linear.scatter [tilespmem:s1], [sflag:$0x1], $0x80, $0x38;
	[tilespmem:$0x8400] =	vst v63  }
0x225: {  	s1 =	sor.u32 $0x800, s0;
	s31 =	sadd.s32 $0xA0, s30  }
0x226: {  	[hbm4b:s31+s3] =	stream.linear.scatter [tilespmem:s1], [sflag:$0x1], $0x80, $0x38;
	[tilespmem:$0x8400] =	vst v63  }
0x227: {  	s1 =	sor.u32 $0xC00, s0;
	s31 =	sadd.s32 $0x120, s30  }
0x228: {  	[hbm4b:s31+s3] =	stream.linear.scatter [tilespmem:s1], [sflag:$0x1], $0x80, $0x38;
	[tilespmem:$0x8400] =	vst v63  }
0x229: {  	s1 =	sor.u32 $0x1000, s0;
	s31 =	sadd.s32 $0x1A0, s30  }
0x22a: {  	[hbm4b:s31+s3] =	stream.linear.scatter [tilespmem:s1], [sflag:$0x1], $0x80, $0x38;
	[tilespmem:$0x8400] =	vst v63  }
0x22b: {  	s1 =	sor.u32 $0x1400, s0;
	s31 =	sadd.s32 $0x220, s30  }
0x22c: {  	[hbm4b:s31+s3] =	stream.linear.scatter [tilespmem:s1], [sflag:$0x1], $0x80, $0x38;
	[tilespmem:$0x8400] =	vst v63  }
0x22d: {  	s1 =	sor.u32 $0x1800, s0;
	s31 =	sadd.s32 $0x2A0, s30  }
0x22e: {  	[hbm4b:s31+s3] =	stream.linear.scatter [tilespmem:s1], [sflag:$0x1], $0x80, $0x38;
	[tilespmem:$0x8400] =	vst v63  }
0x22f: {  	s1 =	sor.u32 $0x1C00, s0;
	s31 =	sadd.s32 $0x320, s30  }
0x230: {  	[hbm4b:s31+s3] =	stream.linear.scatter [tilespmem:s1], [sflag:$0x1], $0x80, $0x38;
	[tilespmem:$0x8400] =	vst v63  }
0x231: {  	s0 =	sadd.s32 $0x2000, s0;
	s31 =	sadd.s32 $0x3A0, s30;
	s1 =	spop (v2sf)  }
0x232: {  	[hbm4b:s31+s3] =	stream.linear.scatter [tilespmem:s0], [sflag:$0x1], $0x80, $0x38;
	[tilespmem:$0x8400] =	vst v63  }
0x233: {  	s31 =	sshll.u32 s1, $0xA;
	s0 =	sshll.u32 s1, $0x7  }
0x234: {  	s1 =	sand.u32 $0xFFFFE000, s31;
	s0 =	sand.u32 $0x380, s0  }
0x235: {  	(v2sf) =	vpush v0, $0xC;
	s0 =	sor.u32 s0, s1  }
0x236: {  	s31 =	sadd.s32 $0x30, s30;
	s1 =	sor.u32 $0x400, s0  }
0x237: {  	[hbm4b:s31+s3] =	stream.linear.scatter [tilespmem:s1], [sflag:$0x1], $0x80, $0x38;
	[tilespmem:$0x8400] =	vst v63  }
0x238: {  	s1 =	sor.u32 $0x800, s0;
	s31 =	sadd.s32 $0xB0, s30  }
0x239: {  	[hbm4b:s31+s3] =	stream.linear.scatter [tilespmem:s1], [sflag:$0x1], $0x80, $0x38;
	[tilespmem:$0x8400] =	vst v63  }
0x23a: {  	s1 =	sor.u32 $0xC00, s0;
	s31 =	sadd.s32 $0x130, s30  }
0x23b: {  	[hbm4b:s31+s3] =	stream.linear.scatter [tilespmem:s1], [sflag:$0x1], $0x80, $0x38;
	[tilespmem:$0x8400] =	vst v63  }
0x23c: {  	s1 =	sor.u32 $0x1000, s0;
	s31 =	sadd.s32 $0x1B0, s30  }
0x23d: {  	[hbm4b:s31+s3] =	stream.linear.scatter [tilespmem:s1], [sflag:$0x1], $0x80, $0x38;
	[tilespmem:$0x8400] =	vst v63  }
0x23e: {  	s1 =	sor.u32 $0x1400, s0;
	s31 =	sadd.s32 $0x230, s30  }
0x23f: {  	[hbm4b:s31+s3] =	stream.linear.scatter [tilespmem:s1], [sflag:$0x1], $0x80, $0x38;
	[tilespmem:$0x8400] =	vst v63  }
0x240: {  	s1 =	sor.u32 $0x1800, s0;
	s31 =	sadd.s32 $0x2B0, s30  }
0x241: {  	[hbm4b:s31+s3] =	stream.linear.scatter [tilespmem:s1], [sflag:$0x1], $0x80, $0x38;
	[tilespmem:$0x8400] =	vst v63  }
0x242: {  	s1 =	sor.u32 $0x1C00, s0;
	s31 =	sadd.s32 $0x330, s30  }
0x243: {  	[hbm4b:s31+s3] =	stream.linear.scatter [tilespmem:s1], [sflag:$0x1], $0x80, $0x38;
	[tilespmem:$0x8400] =	vst v63  }
0x244: {  	s0 =	sadd.s32 $0x2000, s0;
	s31 =	sadd.s32 $0x3B0, s30;
	s1 =	spop (v2sf)  }
0x245: {  	[hbm4b:s31+s3] =	stream.linear.scatter [tilespmem:s0], [sflag:$0x1], $0x80, $0x38;
	[tilespmem:$0x8400] =	vst v63  }
0x246: {  	s31 =	sshll.u32 s1, $0xA;
	s0 =	sshll.u32 s1, $0x7  }
0x247: {  	s1 =	sand.u32 $0xFFFFE000, s31;
	s0 =	sand.u32 $0x380, s0  }
0x248: {  	(v2sf) =	vpush v0, $0xD;
	s0 =	sor.u32 s0, s1  }
0x249: {  	s31 =	sadd.s32 $0x40, s30;
	s1 =	sor.u32 $0x400, s0  }
0x24a: {  	[hbm4b:s31+s3] =	stream.linear.scatter [tilespmem:s1], [sflag:$0x1], $0x80, $0x38;
	[tilespmem:$0x8400] =	vst v63  }
0x24b: {  	s1 =	sor.u32 $0x800, s0;
	s31 =	sadd.s32 $0xC0, s30  }
0x24c: {  	[hbm4b:s31+s3] =	stream.linear.scatter [tilespmem:s1], [sflag:$0x1], $0x80, $0x38;
	[tilespmem:$0x8400] =	vst v63  }
0x24d: {  	s1 =	sor.u32 $0xC00, s0;
	s31 =	sadd.s32 $0x140, s30  }
0x24e: {  	[hbm4b:s31+s3] =	stream.linear.scatter [tilespmem:s1], [sflag:$0x1], $0x80, $0x38;
	[tilespmem:$0x8400] =	vst v63  }
0x24f: {  	s1 =	sor.u32 $0x1000, s0;
	s31 =	sadd.s32 $0x1C0, s30  }
0x250: {  	[hbm4b:s31+s3] =	stream.linear.scatter [tilespmem:s1], [sflag:$0x1], $0x80, $0x38;
	[tilespmem:$0x8400] =	vst v63  }
0x251: {  	s1 =	sor.u32 $0x1400, s0;
	s31 =	sadd.s32 $0x240, s30  }
0x252: {  	[hbm4b:s31+s3] =	stream.linear.scatter [tilespmem:s1], [sflag:$0x1], $0x80, $0x38;
	[tilespmem:$0x8400] =	vst v63  }
0x253: {  	s1 =	sor.u32 $0x1800, s0;
	s31 =	sadd.s32 $0x2C0, s30  }
0x254: {  	[hbm4b:s31+s3] =	stream.linear.scatter [tilespmem:s1], [sflag:$0x1], $0x80, $0x38;
	[tilespmem:$0x8400] =	vst v63  }
0x255: {  	s1 =	sor.u32 $0x1C00, s0;
	s31 =	sadd.s32 $0x340, s30  }
0x256: {  	[hbm4b:s31+s3] =	stream.linear.scatter [tilespmem:s1], [sflag:$0x1], $0x80, $0x38;
	[tilespmem:$0x8400] =	vst v63  }
0x257: {  	s0 =	sadd.s32 $0x2000, s0;
	s31 =	sadd.s32 $0x3C0, s30;
	s1 =	spop (v2sf)  }
0x258: {  	[hbm4b:s31+s3] =	stream.linear.scatter [tilespmem:s0], [sflag:$0x1], $0x80, $0x38;
	[tilespmem:$0x8400] =	vst v63  }
0x259: {  	s31 =	sshll.u32 s1, $0xA;
	s0 =	sshll.u32 s1, $0x7  }
0x25a: {  	s1 =	sand.u32 $0xFFFFE000, s31;
	s0 =	sand.u32 $0x380, s0  }
0x25b: {  	(v2sf) =	vpush v0, $0xE;
	s0 =	sor.u32 s0, s1  }
0x25c: {  	s31 =	sadd.s32 $0x50, s30;
	s1 =	sor.u32 $0x400, s0  }
0x25d: {  	[hbm4b:s31+s3] =	stream.linear.scatter [tilespmem:s1], [sflag:$0x1], $0x80, $0x38;
	[tilespmem:$0x8400] =	vst v63  }
0x25e: {  	s1 =	sor.u32 $0x800, s0;
	s31 =	sadd.s32 $0xD0, s30  }
0x25f: {  	[hbm4b:s31+s3] =	stream.linear.scatter [tilespmem:s1], [sflag:$0x1], $0x80, $0x38;
	[tilespmem:$0x8400] =	vst v63  }
0x260: {  	s1 =	sor.u32 $0xC00, s0;
	s31 =	sadd.s32 $0x150, s30  }
0x261: {  	[hbm4b:s31+s3] =	stream.linear.scatter [tilespmem:s1], [sflag:$0x1], $0x80, $0x38;
	[tilespmem:$0x8400] =	vst v63  }
0x262: {  	s1 =	sor.u32 $0x1000, s0;
	s31 =	sadd.s32 $0x1D0, s30  }
0x263: {  	[hbm4b:s31+s3] =	stream.linear.scatter [tilespmem:s1], [sflag:$0x1], $0x80, $0x38;
	[tilespmem:$0x8400] =	vst v63  }
0x264: {  	s1 =	sor.u32 $0x1400, s0;
	s31 =	sadd.s32 $0x250, s30  }
0x265: {  	[hbm4b:s31+s3] =	stream.linear.scatter [tilespmem:s1], [sflag:$0x1], $0x80, $0x38;
	[tilespmem:$0x8400] =	vst v63  }
0x266: {  	s1 =	sor.u32 $0x1800, s0;
	s31 =	sadd.s32 $0x2D0, s30  }
0x267: {  	[hbm4b:s31+s3] =	stream.linear.scatter [tilespmem:s1], [sflag:$0x1], $0x80, $0x38;
	[tilespmem:$0x8400] =	vst v63  }
0x268: {  	s1 =	sor.u32 $0x1C00, s0;
	s31 =	sadd.s32 $0x350, s30  }
0x269: {  	[hbm4b:s31+s3] =	stream.linear.scatter [tilespmem:s1], [sflag:$0x1], $0x80, $0x38;
	[tilespmem:$0x8400] =	vst v63  }
0x26a: {  	s0 =	sadd.s32 $0x2000, s0;
	s31 =	sadd.s32 $0x3D0, s30;
	s1 =	spop (v2sf)  }
0x26b: {  	[hbm4b:s31+s3] =	stream.linear.scatter [tilespmem:s0], [sflag:$0x1], $0x80, $0x38;
	[tilespmem:$0x8400] =	vst v63  }
0x26c: {  	s31 =	sshll.u32 s1, $0xA;
	s0 =	sshll.u32 s1, $0x7  }
0x26d: {  	s1 =	sand.u32 $0xFFFFE000, s31;
	s0 =	sand.u32 $0x380, s0  }
0x26e: {  	(v2sf) =	vpush v0, $0xF;
	s0 =	sor.u32 s0, s1  }
0x26f: {  	s31 =	sadd.s32 $0x60, s30;
	s1 =	sor.u32 $0x400, s0  }
0x270: {  	[hbm4b:s31+s3] =	stream.linear.scatter [tilespmem:s1], [sflag:$0x1], $0x80, $0x38;
	[tilespmem:$0x8400] =	vst v63  }
0x271: {  	s1 =	sor.u32 $0x800, s0;
	s31 =	sadd.s32 $0xE0, s30  }
0x272: {  	[hbm4b:s31+s3] =	stream.linear.scatter [tilespmem:s1], [sflag:$0x1], $0x80, $0x38;
	[tilespmem:$0x8400] =	vst v63  }
0x273: {  	s1 =	sor.u32 $0xC00, s0;
	s31 =	sadd.s32 $0x160, s30  }
0x274: {  	[hbm4b:s31+s3] =	stream.linear.scatter [tilespmem:s1], [sflag:$0x1], $0x80, $0x38;
	[tilespmem:$0x8400] =	vst v63  }
0x275: {  	s1 =	sor.u32 $0x1000, s0;
	s31 =	sadd.s32 $0x1E0, s30  }
0x276: {  	[hbm4b:s31+s3] =	stream.linear.scatter [tilespmem:s1], [sflag:$0x1], $0x80, $0x38;
	[tilespmem:$0x8400] =	vst v63  }
0x277: {  	s1 =	sor.u32 $0x1400, s0;
	s31 =	sadd.s32 $0x260, s30  }
0x278: {  	[hbm4b:s31+s3] =	stream.linear.scatter [tilespmem:s1], [sflag:$0x1], $0x80, $0x38;
	[tilespmem:$0x8400] =	vst v63  }
0x279: {  	s1 =	sor.u32 $0x1800, s0;
	s31 =	sadd.s32 $0x2E0, s30  }
0x27a: {  	[hbm4b:s31+s3] =	stream.linear.scatter [tilespmem:s1], [sflag:$0x1], $0x80, $0x38;
	[tilespmem:$0x8400] =	vst v63  }
0x27b: {  	s1 =	sor.u32 $0x1C00, s0;
	s31 =	sadd.s32 $0x360, s30  }
0x27c: {  	[hbm4b:s31+s3] =	stream.linear.scatter [tilespmem:s1], [sflag:$0x1], $0x80, $0x38;
	[tilespmem:$0x8400] =	vst v63  }
0x27d: {  	s0 =	sadd.s32 $0x2000, s0;
	s31 =	sadd.s32 $0x3E0, s30;
	s1 =	spop (v2sf)  }
0x27e: {  	[hbm4b:s31+s3] =	stream.linear.scatter [tilespmem:s0], [sflag:$0x1], $0x80, $0x38;
	[tilespmem:$0x8400] =	vst v63  }
0x27f: {  	s31 =	sshll.u32 s1, $0xA;
	s0 =	sshll.u32 s1, $0x7  }
0x280: {  	s1 =	sand.u32 $0xFFFFE000, s31;
	s0 =	sand.u32 $0x380, s0  }
0x281: {  	s0 =	sor.u32 s0, s1  }
0x282: {  	s31 =	sadd.s32 $0x70, s30;
	s1 =	sor.u32 $0x400, s0  }
0x283: {  	[hbm4b:s31+s3] =	stream.linear.scatter [tilespmem:s1], [sflag:$0x1], $0x80, $0x38;
	[tilespmem:$0x8400] =	vst v63  }
0x284: {  	s1 =	sor.u32 $0x800, s0;
	s31 =	sadd.s32 $0xF0, s30  }
0x285: {  	[hbm4b:s31+s3] =	stream.linear.scatter [tilespmem:s1], [sflag:$0x1], $0x80, $0x38;
	[tilespmem:$0x8400] =	vst v63  }
0x286: {  	s1 =	sor.u32 $0xC00, s0;
	s31 =	sadd.s32 $0x170, s30  }
0x287: {  	[hbm4b:s31+s3] =	stream.linear.scatter [tilespmem:s1], [sflag:$0x1], $0x80, $0x38;
	[tilespmem:$0x8400] =	vst v63  }
0x288: {  	s1 =	sor.u32 $0x1000, s0;
	s31 =	sadd.s32 $0x1F0, s30  }
0x289: {  	[hbm4b:s31+s3] =	stream.linear.scatter [tilespmem:s1], [sflag:$0x1], $0x80, $0x38;
	[tilespmem:$0x8400] =	vst v63  }
0x28a: {  	s1 =	sor.u32 $0x1400, s0;
	s31 =	sadd.s32 $0x270, s30  }
0x28b: {  	[hbm4b:s31+s3] =	stream.linear.scatter [tilespmem:s1], [sflag:$0x1], $0x80, $0x38;
	[tilespmem:$0x8400] =	vst v63  }
0x28c: {  	s1 =	sor.u32 $0x1800, s0;
	s31 =	sadd.s32 $0x2F0, s30  }
0x28d: {  	[hbm4b:s31+s3] =	stream.linear.scatter [tilespmem:s1], [sflag:$0x1], $0x80, $0x38;
	[tilespmem:$0x8400] =	vst v63  }
0x28e: {  	p0 =	sne.s32 s29, $0x1F000;
	s1 =	sor.u32 $0x1C00, s0;
	s31 =	sadd.s32 $0x370, s30  }
0x28f: {  	[hbm4b:s31+s3] =	stream.linear.scatter [tilespmem:s1], [sflag:$0x1], $0x80, $0x38;
	[tilespmem:$0x8400] =	vst v63  }
.Ltmp0:
0x290: {  	s0 =	sadd.s32 $0x2000, s0;
	s31 =	sadd.s32 $0x3F0, s30;
	(pc) =	sbr.rel @p0 .LBB2_2-.Ltmp0, $4  }
0x291: {  	[hbm4b:s31+s3] =	stream.linear.scatter [tilespmem:s0], [sflag:$0x1], $0x80, $0x38;
	[tilespmem:$0x8400] =	vst v63  }
0x292: {  	_ =	swait.ge [sflag:s25], $0x4000  }
0x293: {  	[sflag:s25] =	ssyncset.done $0x0  }
0x294: {  	s28 =	sadd.s32 $0x10, s28;
	s29 =	sadd.s32 $0x800, s29;
	[sflag:s25] =	ssyncadd.s32 $0xFFFFC000  }
0x295: {  	s26 =	sadd.s32 $0x1, s26  }
0x296: {  	p0 =	sne.s32 s26, s21  }
.Ltmp1:
0x297: {  	_ = 	snop;
	(pc) =	sbr.rel @p0 .LBB2_1-.Ltmp1, $4  }
0x298: {  	_ = 	snop  }
0x299: {  	_ =	swait.ge [sflag:s25], $0x4000  }
0x29a: {  	[sflag:s25] =	ssyncset.done $0x0  }
0x29b: {  	[sflag:s25] =	ssyncadd.s32 $0xFFFFC000  }
0x29c: {  	_ =	sfence.sel $0x180000  }
0x29d: {  	[bflag:$0x0] =	sbarrier.arrive $0xFFFF  }
0x29e: {  	_ =	strace $0x90000047  }
0x29f: {  	s0 =	stileid.u32;
	[bflag:$0x2] =	sbarrier.arrive $0xFFFF  }
0x2a0: {  	p0 =	sne.s32 s0, $0x0;
	s0 =	rddreg [dreg:$0x3]  }
0x2a1: {  	s0 =	sadd.s32 @!p0 $0x100000, s0  }
0x2a2: {  	[sflag:s0] =	ssyncadd.tile.s32 @!p0 $0x1;
	_ =	shalt  }
.Lfunc_end2:
_tile_overlayer_lowered:
.L_overlay_start_2:
0x2a3: {  	(tag) =	ssettag $0x2  }
0x2a4: {  	s0 =	rddreg [dreg:$0x0];
	s2 =	stileid.u32  }
0x2a5: {  	s1 =	rddreg [dreg:$0x1];
	p0 =	sne.s32 s2, $0x0  }
0x2a6: {  	s3 =	rddreg [dreg:$0x2];
	[bflag:$0x3] =	sbarrier.arrive $0xFFFF;
	s2 =	simm.s32 @!p0 $0x1C02  }
0x2a7: {  	[timem:s3], [sflag:s2] =	dma.local @!p0 [hbm:s0], s1  }
0x2a8: {  	s0 =	simm.s32 @!p0 $0x2  }
0x2a9: {  	_ =	swait.ge @!p0 [sflag:s0], s1  }
0x2aa: {  	s1 =	ssub.s32 @!p0 $0x0, s1;
	[sflag:s0] =	ssyncset.done @!p0 $0x0  }
0x2ab: {  	[sflag:s0] =	ssyncadd.s32 @!p0 s1  }
0x2ac: {  	[bflag:$0x3] =	sbarrier.arrive $0xFFFF  }
0x2ad: {  	_ =	shalt  }

</sc_bundles>
